<compile_context>
chip_gen: v7x
topology: tpu7x:2x2x1
jax: 0.10.2.dev20260603
libtpu: 0.0.44.dev20260713+nightly
codegen_flags: <defaults>
</compile_context>

<pallas_src>
import jax
import jax.numpy as jnp
from jax import lax
from jax.experimental import pallas as pl
from jax.experimental.pallas import tpu as pltpu
from jax.experimental.pallas import tpu_sc as plsc

SEQ = 200
D = 64
LANES = 16
NC, NS = 2, 16
NW = NC * NS
BB = 128
NG = D // 8


def _body(tok_hbm, word_hbm, pos_hbm, out_hbm,
          tokblk, idx_t, pos_v, gb0, gb1, ch0, ch1, sg0, sg1, sw0, sw1):
    gb = [gb0, gb1]
    ch = [ch0, ch1]
    sg = [sg0, sg1]
    sw = [sw0, sw1]
    wid = lax.axis_index("s") * NC + lax.axis_index("c")

    pltpu.sync_copy(tok_hbm.at[pl.ds(wid * BB, BB)], tokblk)
    pltpu.sync_copy(pos_hbm, pos_v)

    lane = lax.iota(jnp.int32, LANES)

    @plsc.parallel_loop(0, BB, 1, unroll=2)
    def _(b):
        for k in range(13):
            off = k * LANES if k < 12 else SEQ - LANES
            val = tokblk[b, pl.ds(off, LANES)]
            rowi = off + lane
            coli = jnp.full((LANES,), b, jnp.int32)
            if k == 12:
                plsc.store_scatter(idx_t, [rowi, coli], val,
                                   mask=rowi >= k * LANES)
            else:
                plsc.store_scatter(idx_t, [rowi, coli], val)

    dummy = word_hbm.at[pl.ds(0, BB)]

    def issue_gather(s, par):
        for q in range(4):
            sl = pl.ds(q * (BB // 4), BB // 4)
            pltpu.async_copy(word_hbm.at[idx_t.at[s, sl]], gb[par].at[sl],
                             sg[par])

    issue_gather(0, 0)

    gvec = [2 * k + lane // 8 for k in range(4)]
    cvec = lane % 8

    def step(s, par):
        @pl.when(s + 1 < SEQ)
        def _():
            issue_gather(s + 1, 1 - par)

        pltpu.make_async_copy(dummy, gb[par], sg[par]).wait()

        @pl.when(s >= 2)
        def _():
            pltpu.make_async_copy(ch[par].at[:, :, pl.ds(0, BB)],
                                  out_hbm.at[0, :, 0], sw[par]).wait()

        pos_r = [pos_v[s, pl.ds(k * LANES, LANES)] for k in range(4)]

        @plsc.parallel_loop(0, BB, 1, unroll=4)
        def _(b):
            bvec = jnp.full((LANES,), b, jnp.int32)
            for k in range(4):
                val = gb[par][b, pl.ds(k * LANES, LANES)] + pos_r[k]
                plsc.store_scatter(ch[par], [gvec[k], cvec, bvec], val)
        pltpu.async_copy(ch[par].at[:, :, pl.ds(0, BB)],
                         out_hbm.at[s, :, wid], sw[par])

    def pair(p, carry):
        step(2 * p, 0)
        step(2 * p + 1, 1)
        return carry

    lax.fori_loop(0, SEQ // 2, pair, 0)
    for par in range(2):
        pltpu.make_async_copy(ch[par].at[:, :, pl.ds(0, BB)],
                              out_hbm.at[0, :, 0], sw[par]).wait()


def kernel(tokens, word_table, pos_table):
    b, s = tokens.shape
    d = word_table.shape[1]
    tok = tokens.astype(jnp.int32)

    mesh = plsc.VectorSubcoreMesh(core_axis_name="c", subcore_axis_name="s",
                                  num_cores=NC, num_subcores=NS)
    run = pl.kernel(
        _body,
        out_type=jax.ShapeDtypeStruct((s, NG, b // BB, 8, BB), jnp.float32),
        mesh=mesh,
        scratch_types=(
            [pltpu.VMEM((BB, s), jnp.int32),
             pltpu.VMEM((s, BB), jnp.int32),
             pltpu.VMEM((SEQ, d), jnp.float32),
             pltpu.VMEM((BB, d), jnp.float32),
             pltpu.VMEM((BB, d), jnp.float32),
             pltpu.VMEM((NG, 8, BB + 1), jnp.float32),
             pltpu.VMEM((NG, 8, BB + 1), jnp.float32)]
            + [pltpu.SemaphoreType.DMA for _ in range(4)]
        ),
        compiler_params=pltpu.CompilerParams(use_tc_tiling_on_sc=False,
                                             needs_layout_passes=False),
    )
    out = run(tok, word_table, pos_table)
    return out.transpose(2, 4, 0, 1, 3).reshape(b, s, d)

# --- scband reference (transcript-rebuilt; emitter-appended) ---
"""Pipeline reference for scband-embedding-layer-56281251447425 (READ-ONLY COPY).

The authoritative reference and input builder live on the scoring server;
editing this copy changes nothing except your own understanding.
"""

import jax, jax.numpy as jnp
import numpy as np

VOCAB_SIZE = 1000000
SEQ_LEN = 200
EMBED_DIM = 64
BATCH = 4096


def setup_inputs(seed: int = 0) -> dict:
    key = jax.random.key(seed)
    k1, k2, k3 = jax.random.split(key, 3)
    tokens = jax.random.randint(k1, (BATCH, SEQ_LEN), 0, VOCAB_SIZE, dtype=jnp.int64 if jax.config.jax_enable_x64 else jnp.int32)
    word_table = jax.random.normal(k2, (VOCAB_SIZE, EMBED_DIM), dtype=jnp.float32) * 0.02
    pos_table = jax.random.normal(k3, (SEQ_LEN, EMBED_DIM), dtype=jnp.float32) * 0.02
    return {"tokens": tokens, "word_table": word_table, "pos_table": pos_table}


def reference(tokens, word_table, pos_table):
    seq_len = tokens.shape[-1]
    all_positions = jnp.arange(seq_len)
    positions_encoding = jnp.take(pos_table, all_positions, axis=0)  # [S, D]
    words_encoding = jnp.take(word_table, tokens, axis=0)            # [B, S, D]
    return positions_encoding + words_encoding

if __name__ == "__main__":
    import jax
    _d = setup_inputs()
    print(jax.jit(kernel)(*tuple(_d.values())))

</pallas_src>

<mosaic_0001>
#map = affine_map<(d0, d1) -> (0, 0)>
#map1 = affine_map<(d0, d1) -> (0, 0, 0, 0, 0)>
module attributes {stable_mosaic.version = 14 : i64} {
  func.func @_body(%arg0: i32, %arg1: i32, %arg2: memref<4096x200xi32, #tpu.memory_space<hbm>>, %arg3: memref<1000000x64xf32, #tpu.memory_space<hbm>>, %arg4: memref<200x64xf32, #tpu.memory_space<hbm>>, %arg5: memref<200x8x32x8x128xf32, #tpu.memory_space<hbm>>, %arg6: memref<128x200xi32, #tpu.memory_space<vmem>>, %arg7: memref<200x128xi32, #tpu.memory_space<vmem>>, %arg8: memref<200x64xf32, #tpu.memory_space<vmem>>, %arg9: memref<128x64xf32, #tpu.memory_space<vmem>>, %arg10: memref<128x64xf32, #tpu.memory_space<vmem>>, %arg11: memref<8x8x129xf32, #tpu.memory_space<vmem>>, %arg12: memref<8x8x129xf32, #tpu.memory_space<vmem>>, %arg13: memref<!tpu.dma_semaphore, #tpu.memory_space<semaphore_mem>>, %arg14: memref<!tpu.dma_semaphore, #tpu.memory_space<semaphore_mem>>, %arg15: memref<!tpu.dma_semaphore, #tpu.memory_space<semaphore_mem>>, %arg16: memref<!tpu.dma_semaphore, #tpu.memory_space<semaphore_mem>>) attributes {dimension_semantics = [#tpu.dimension_semantics<core_parallel>, #tpu.dimension_semantics<subcore_parallel>], iteration_bounds = array<i64: 2, 16>, scalar_prefetch = 0 : i64, scratch_operands = 11 : i64, tpu.core_type = #tpu.core_type<sc_vector_subcore>, window_params = [{transform_indices = #map}, {transform_indices = #map}, {transform_indices = #map}, {transform_indices = #map1}]} {
    %mul3A = arith.constant 2 : i32
    %mul3A_0 = arith.muli %arg1, %mul3A : i32
    %add3A = arith.addi %mul3A_0, %arg0 : i32
    %mul3A_1 = arith.constant 128 : i32
    %mul3A_2 = arith.muli %add3A, %mul3A_1 : i32
    "tpu.region"() ({
      %run_scoped3A = tpu.sem_alloc : memref<!tpu.dma_semaphore, #tpu.memory_space<semaphore_mem>>
      %dma_start3A_236 = arith.constant 0 : i32
      %dma_start3A_237 = tpu.memref_slice %arg2[%mul3A_2, %dma_start3A_236] : memref<4096x200xi32, #tpu.memory_space<hbm>> -> memref<128x200xi32, #tpu.memory_space<hbm>>
      %dma_start3A_238 = arith.constant 0 : i32
      %dma_start3A_239 = tpu.memref_slice %arg2[%mul3A_2, %dma_start3A_238] : memref<4096x200xi32, #tpu.memory_space<hbm>> -> memref<128x200xi32, #tpu.memory_space<hbm>>
      tpu.enqueue_dma source(%dma_start3A_239 : memref<128x200xi32, #tpu.memory_space<hbm>>) target(%arg6 : memref<128x200xi32, #tpu.memory_space<vmem>>) target_semaphore(%run_scoped3A : memref<!tpu.dma_semaphore, #tpu.memory_space<semaphore_mem>>)
      %dma_wait3A_240 = arith.constant 0 : i32
      %dma_wait3A_241 = tpu.memref_slice %arg2[%mul3A_2, %dma_wait3A_240] : memref<4096x200xi32, #tpu.memory_space<hbm>> -> memref<128x200xi32, #tpu.memory_space<hbm>>
      %dma_wait3A_242 = arith.constant 0 : i32
      %dma_wait3A_243 = tpu.memref_slice %arg2[%mul3A_2, %dma_wait3A_242] : memref<4096x200xi32, #tpu.memory_space<hbm>> -> memref<128x200xi32, #tpu.memory_space<hbm>>
      tpu.wait_dma2 semaphore(%run_scoped3A : memref<!tpu.dma_semaphore, #tpu.memory_space<semaphore_mem>>) src(%dma_wait3A_243 : memref<128x200xi32, #tpu.memory_space<hbm>>) dst(%arg6 : memref<128x200xi32, #tpu.memory_space<vmem>>)
      tpu.yield
    }) : () -> ()
    "tpu.region"() ({
      %run_scoped3A = tpu.sem_alloc : memref<!tpu.dma_semaphore, #tpu.memory_space<semaphore_mem>>
      tpu.enqueue_dma source(%arg4 : memref<200x64xf32, #tpu.memory_space<hbm>>) target(%arg8 : memref<200x64xf32, #tpu.memory_space<vmem>>) target_semaphore(%run_scoped3A : memref<!tpu.dma_semaphore, #tpu.memory_space<semaphore_mem>>)
      tpu.wait_dma2 semaphore(%run_scoped3A : memref<!tpu.dma_semaphore, #tpu.memory_space<semaphore_mem>>) src(%arg4 : memref<200x64xf32, #tpu.memory_space<hbm>>) dst(%arg8 : memref<200x64xf32, #tpu.memory_space<vmem>>)
      tpu.yield
    }) : () -> ()
    %iota3A = tpu.iota {dimensions = array<i32: 0>} : vector<16xi32>
    %parallel_loop3A = arith.constant 0 : i32
    %parallel_loop3A_3 = arith.constant 128 : i32
    %parallel_loop3A_4 = arith.constant 1 : i32
    scf.for %parallel_loop3A_236 = %parallel_loop3A to %parallel_loop3A_3 step %parallel_loop3A_4  : i32 {
      %parallel_loop3A_237 = arith.index_cast %parallel_loop3A_236 : i32 to index
      %parallel_loop3A_238 = arith.constant 0 : index
      %parallel_loop3A_239 = tpu.vector_load %arg6[%parallel_loop3A_237, %parallel_loop3A_238] {strides = array<i32>} : memref<128x200xi32, #tpu.memory_space<vmem>>, vector<16xi32>,
      %parallel_loop3A_240 = arith.constant 0 : i32
      %parallel_loop3A_241 = vector.broadcast %parallel_loop3A_240 : i32 to vector<16xi32>
      %parallel_loop3A_242 = arith.addi %parallel_loop3A_241, %iota3A : vector<16xi32>
      %parallel_loop3A_243 = vector.broadcast %parallel_loop3A_236 : i32 to vector<16xi32>
      tpu.vector_store_idx %arg7[%parallel_loop3A_242, %parallel_loop3A_243], %parallel_loop3A_239 : memref<200x128xi32, #tpu.memory_space<vmem>>[vector<16xi32>, vector<16xi32>], vector<16xi32>,
      %parallel_loop3A_244 = arith.index_cast %parallel_loop3A_236 : i32 to index
      %parallel_loop3A_245 = arith.constant 16 : index
      %parallel_loop3A_246 = tpu.vector_load %arg6[%parallel_loop3A_244, %parallel_loop3A_245] {strides = array<i32>} : memref<128x200xi32, #tpu.memory_space<vmem>>, vector<16xi32>,
      %parallel_loop3A_247 = arith.constant 16 : i32
      %parallel_loop3A_248 = vector.broadcast %parallel_loop3A_247 : i32 to vector<16xi32>
      %parallel_loop3A_249 = arith.addi %parallel_loop3A_248, %iota3A : vector<16xi32>
      %parallel_loop3A_250 = vector.broadcast %parallel_loop3A_236 : i32 to vector<16xi32>
      tpu.vector_store_idx %arg7[%parallel_loop3A_249, %parallel_loop3A_250], %parallel_loop3A_246 : memref<200x128xi32, #tpu.memory_space<vmem>>[vector<16xi32>, vector<16xi32>], vector<16xi32>,
      %parallel_loop3A_251 = arith.index_cast %parallel_loop3A_236 : i32 to index
      %parallel_loop3A_252 = arith.constant 32 : index
      %parallel_loop3A_253 = tpu.vector_load %arg6[%parallel_loop3A_251, %parallel_loop3A_252] {strides = array<i32>} : memref<128x200xi32, #tpu.memory_space<vmem>>, vector<16xi32>,
      %parallel_loop3A_254 = arith.constant 32 : i32
      %parallel_loop3A_255 = vector.broadcast %parallel_loop3A_254 : i32 to vector<16xi32>
      %parallel_loop3A_256 = arith.addi %parallel_loop3A_255, %iota3A : vector<16xi32>
      %parallel_loop3A_257 = vector.broadcast %parallel_loop3A_236 : i32 to vector<16xi32>
      tpu.vector_store_idx %arg7[%parallel_loop3A_256, %parallel_loop3A_257], %parallel_loop3A_253 : memref<200x128xi32, #tpu.memory_space<vmem>>[vector<16xi32>, vector<16xi32>], vector<16xi32>,
      %parallel_loop3A_258 = arith.index_cast %parallel_loop3A_236 : i32 to index
      %parallel_loop3A_259 = arith.constant 48 : index
      %parallel_loop3A_260 = tpu.vector_load %arg6[%parallel_loop3A_258, %parallel_loop3A_259] {strides = array<i32>} : memref<128x200xi32, #tpu.memory_space<vmem>>, vector<16xi32>,
      %parallel_loop3A_261 = arith.constant 48 : i32
      %parallel_loop3A_262 = vector.broadcast %parallel_loop3A_261 : i32 to vector<16xi32>
      %parallel_loop3A_263 = arith.addi %parallel_loop3A_262, %iota3A : vector<16xi32>
      %parallel_loop3A_264 = vector.broadcast %parallel_loop3A_236 : i32 to vector<16xi32>
      tpu.vector_store_idx %arg7[%parallel_loop3A_263, %parallel_loop3A_264], %parallel_loop3A_260 : memref<200x128xi32, #tpu.memory_space<vmem>>[vector<16xi32>, vector<16xi32>], vector<16xi32>,
      %parallel_loop3A_265 = arith.index_cast %parallel_loop3A_236 : i32 to index
      %parallel_loop3A_266 = arith.constant 64 : index
      %parallel_loop3A_267 = tpu.vector_load %arg6[%parallel_loop3A_265, %parallel_loop3A_266] {strides = array<i32>} : memref<128x200xi32, #tpu.memory_space<vmem>>, vector<16xi32>,
      %parallel_loop3A_268 = arith.constant 64 : i32
      %parallel_loop3A_269 = vector.broadcast %parallel_loop3A_268 : i32 to vector<16xi32>
      %parallel_loop3A_270 = arith.addi %parallel_loop3A_269, %iota3A : vector<16xi32>
      %parallel_loop3A_271 = vector.broadcast %parallel_loop3A_236 : i32 to vector<16xi32>
      tpu.vector_store_idx %arg7[%parallel_loop3A_270, %parallel_loop3A_271], %parallel_loop3A_267 : memref<200x128xi32, #tpu.memory_space<vmem>>[vector<16xi32>, vector<16xi32>], vector<16xi32>,
      %parallel_loop3A_272 = arith.index_cast %parallel_loop3A_236 : i32 to index
      %parallel_loop3A_273 = arith.constant 80 : index
      %parallel_loop3A_274 = tpu.vector_load %arg6[%parallel_loop3A_272, %parallel_loop3A_273] {strides = array<i32>} : memref<128x200xi32, #tpu.memory_space<vmem>>, vector<16xi32>,
      %parallel_loop3A_275 = arith.constant 80 : i32
      %parallel_loop3A_276 = vector.broadcast %parallel_loop3A_275 : i32 to vector<16xi32>
      %parallel_loop3A_277 = arith.addi %parallel_loop3A_276, %iota3A : vector<16xi32>
      %parallel_loop3A_278 = vector.broadcast %parallel_loop3A_236 : i32 to vector<16xi32>
      tpu.vector_store_idx %arg7[%parallel_loop3A_277, %parallel_loop3A_278], %parallel_loop3A_274 : memref<200x128xi32, #tpu.memory_space<vmem>>[vector<16xi32>, vector<16xi32>], vector<16xi32>,
      %parallel_loop3A_279 = arith.index_cast %parallel_loop3A_236 : i32 to index
      %parallel_loop3A_280 = arith.constant 96 : index
      %parallel_loop3A_281 = tpu.vector_load %arg6[%parallel_loop3A_279, %parallel_loop3A_280] {strides = array<i32>} : memref<128x200xi32, #tpu.memory_space<vmem>>, vector<16xi32>,
      %parallel_loop3A_282 = arith.constant 96 : i32
      %parallel_loop3A_283 = vector.broadcast %parallel_loop3A_282 : i32 to vector<16xi32>
      %parallel_loop3A_284 = arith.addi %parallel_loop3A_283, %iota3A : vector<16xi32>
      %parallel_loop3A_285 = vector.broadcast %parallel_loop3A_236 : i32 to vector<16xi32>
      tpu.vector_store_idx %arg7[%parallel_loop3A_284, %parallel_loop3A_285], %parallel_loop3A_281 : memref<200x128xi32, #tpu.memory_space<vmem>>[vector<16xi32>, vector<16xi32>], vector<16xi32>,
      %parallel_loop3A_286 = arith.index_cast %parallel_loop3A_236 : i32 to index
      %parallel_loop3A_287 = arith.constant 112 : index
      %parallel_loop3A_288 = tpu.vector_load %arg6[%parallel_loop3A_286, %parallel_loop3A_287] {strides = array<i32>} : memref<128x200xi32, #tpu.memory_space<vmem>>, vector<16xi32>,
      %parallel_loop3A_289 = arith.constant 112 : i32
      %parallel_loop3A_290 = vector.broadcast %parallel_loop3A_289 : i32 to vector<16xi32>
      %parallel_loop3A_291 = arith.addi %parallel_loop3A_290, %iota3A : vector<16xi32>
      %parallel_loop3A_292 = vector.broadcast %parallel_loop3A_236 : i32 to vector<16xi32>
      tpu.vector_store_idx %arg7[%parallel_loop3A_291, %parallel_loop3A_292], %parallel_loop3A_288 : memref<200x128xi32, #tpu.memory_space<vmem>>[vector<16xi32>, vector<16xi32>], vector<16xi32>,
      %parallel_loop3A_293 = arith.index_cast %parallel_loop3A_236 : i32 to index
      %parallel_loop3A_294 = arith.constant 128 : index
      %parallel_loop3A_295 = tpu.vector_load %arg6[%parallel_loop3A_293, %parallel_loop3A_294] {strides = array<i32>} : memref<128x200xi32, #tpu.memory_space<vmem>>, vector<16xi32>,
      %parallel_loop3A_296 = arith.constant 128 : i32
      %parallel_loop3A_297 = vector.broadcast %parallel_loop3A_296 : i32 to vector<16xi32>
      %parallel_loop3A_298 = arith.addi %parallel_loop3A_297, %iota3A : vector<16xi32>
      %parallel_loop3A_299 = vector.broadcast %parallel_loop3A_236 : i32 to vector<16xi32>
      tpu.vector_store_idx %arg7[%parallel_loop3A_298, %parallel_loop3A_299], %parallel_loop3A_295 : memref<200x128xi32, #tpu.memory_space<vmem>>[vector<16xi32>, vector<16xi32>], vector<16xi32>,
      %parallel_loop3A_300 = arith.index_cast %parallel_loop3A_236 : i32 to index
      %parallel_loop3A_301 = arith.constant 144 : index
      %parallel_loop3A_302 = tpu.vector_load %arg6[%parallel_loop3A_300, %parallel_loop3A_301] {strides = array<i32>} : memref<128x200xi32, #tpu.memory_space<vmem>>, vector<16xi32>,
      %parallel_loop3A_303 = arith.constant 144 : i32
      %parallel_loop3A_304 = vector.broadcast %parallel_loop3A_303 : i32 to vector<16xi32>
      %parallel_loop3A_305 = arith.addi %parallel_loop3A_304, %iota3A : vector<16xi32>
      %parallel_loop3A_306 = vector.broadcast %parallel_loop3A_236 : i32 to vector<16xi32>
      tpu.vector_store_idx %arg7[%parallel_loop3A_305, %parallel_loop3A_306], %parallel_loop3A_302 : memref<200x128xi32, #tpu.memory_space<vmem>>[vector<16xi32>, vector<16xi32>], vector<16xi32>,
      %parallel_loop3A_307 = arith.index_cast %parallel_loop3A_236 : i32 to index
      %parallel_loop3A_308 = arith.constant 160 : index
      %parallel_loop3A_309 = tpu.vector_load %arg6[%parallel_loop3A_307, %parallel_loop3A_308] {strides = array<i32>} : memref<128x200xi32, #tpu.memory_space<vmem>>, vector<16xi32>,
      %parallel_loop3A_310 = arith.constant 160 : i32
      %parallel_loop3A_311 = vector.broadcast %parallel_loop3A_310 : i32 to vector<16xi32>
      %parallel_loop3A_312 = arith.addi %parallel_loop3A_311, %iota3A : vector<16xi32>
      %parallel_loop3A_313 = vector.broadcast %parallel_loop3A_236 : i32 to vector<16xi32>
      tpu.vector_store_idx %arg7[%parallel_loop3A_312, %parallel_loop3A_313], %parallel_loop3A_309 : memref<200x128xi32, #tpu.memory_space<vmem>>[vector<16xi32>, vector<16xi32>], vector<16xi32>,
      %parallel_loop3A_314 = arith.index_cast %parallel_loop3A_236 : i32 to index
      %parallel_loop3A_315 = arith.constant 176 : index
      %parallel_loop3A_316 = tpu.vector_load %arg6[%parallel_loop3A_314, %parallel_loop3A_315] {strides = array<i32>} : memref<128x200xi32, #tpu.memory_space<vmem>>, vector<16xi32>,
      %parallel_loop3A_317 = arith.constant 176 : i32
      %parallel_loop3A_318 = vector.broadcast %parallel_loop3A_317 : i32 to vector<16xi32>
      %parallel_loop3A_319 = arith.addi %parallel_loop3A_318, %iota3A : vector<16xi32>
      %parallel_loop3A_320 = vector.broadcast %parallel_loop3A_236 : i32 to vector<16xi32>
      tpu.vector_store_idx %arg7[%parallel_loop3A_319, %parallel_loop3A_320], %parallel_loop3A_316 : memref<200x128xi32, #tpu.memory_space<vmem>>[vector<16xi32>, vector<16xi32>], vector<16xi32>,
      %parallel_loop3A_321 = arith.index_cast %parallel_loop3A_236 : i32 to index
      %parallel_loop3A_322 = arith.constant 184 : index
      %parallel_loop3A_323 = tpu.vector_load %arg6[%parallel_loop3A_321, %parallel_loop3A_322] {strides = array<i32>} : memref<128x200xi32, #tpu.memory_space<vmem>>, vector<16xi32>,
      %parallel_loop3A_324 = arith.constant 184 : i32
      %parallel_loop3A_325 = vector.broadcast %parallel_loop3A_324 : i32 to vector<16xi32>
      %parallel_loop3A_326 = arith.addi %parallel_loop3A_325, %iota3A : vector<16xi32>
      %parallel_loop3A_327 = vector.broadcast %parallel_loop3A_236 : i32 to vector<16xi32>
      %parallel_loop3A_328 = arith.constant 192 : i32
      %parallel_loop3A_329 = vector.broadcast %parallel_loop3A_328 : i32 to vector<16xi32>
      %parallel_loop3A_330 = arith.cmpi sge, %parallel_loop3A_326, %parallel_loop3A_329 : vector<16xi32>
      tpu.vector_store_idx %arg7[%parallel_loop3A_326, %parallel_loop3A_327], %parallel_loop3A_323 masked %parallel_loop3A_330 : memref<200x128xi32, #tpu.memory_space<vmem>>[vector<16xi32>, vector<16xi32>], vector<16xi32>, vector<16xi1>
    } {sc.loop_unroll_factor = 2 : i64, sc.parallel_access}
    %dma_start3A = arith.constant 0 : i32
    %dma_start3A_5 = arith.constant 0 : i32
    %dma_start3A_6 = arith.constant 0 : i32
    %dma_start3A_7 = tpu.memref_slice %arg9[%dma_start3A_5, %dma_start3A_6] : memref<128x64xf32, #tpu.memory_space<vmem>> -> memref<32x64xf32, #tpu.memory_space<vmem>>
    %dma_start3A_8 = arith.constant 0 : i32
    %dma_start3A_9 = tpu.memref_slice %arg7[%dma_start3A, %dma_start3A_8] : memref<200x128xi32, #tpu.memory_space<vmem>> -> memref<1x32xi32, #tpu.memory_space<vmem>>
    %dma_start3A_10 = tpu.memref_squeeze %dma_start3A_9 : memref<1x32xi32, #tpu.memory_space<vmem>> -> memref<32xi32, #tpu.memory_space<vmem>>
    %dma_start3A_11 = arith.constant 0 : i32
    %dma_start3A_12 = arith.constant 0 : i32
    %dma_start3A_13 = tpu.memref_slice %arg3[%dma_start3A_11, %dma_start3A_12] : memref<1000000x64xf32, #tpu.memory_space<hbm>> -> memref<1000000x64xf32, #tpu.memory_space<hbm>>
    tpu.enqueue_indirect_dma source(%dma_start3A_13 : memref<1000000x64xf32, #tpu.memory_space<hbm>>) target(%dma_start3A_7 : memref<32x64xf32, #tpu.memory_space<vmem>>) offsets(%dma_start3A_10 : memref<32xi32, #tpu.memory_space<vmem>>) semaphore(%arg13 : memref<!tpu.dma_semaphore, #tpu.memory_space<semaphore_mem>>)
    %dma_start3A_14 = arith.constant 0 : i32
    %dma_start3A_15 = arith.constant 32 : i32
    %dma_start3A_16 = arith.constant 0 : i32
    %dma_start3A_17 = tpu.memref_slice %arg9[%dma_start3A_15, %dma_start3A_16] : memref<128x64xf32, #tpu.memory_space<vmem>> -> memref<32x64xf32, #tpu.memory_space<vmem>>
    %dma_start3A_18 = arith.constant 32 : i32
    %dma_start3A_19 = tpu.memref_slice %arg7[%dma_start3A_14, %dma_start3A_18] : memref<200x128xi32, #tpu.memory_space<vmem>> -> memref<1x32xi32, #tpu.memory_space<vmem>>
    %dma_start3A_20 = tpu.memref_squeeze %dma_start3A_19 : memref<1x32xi32, #tpu.memory_space<vmem>> -> memref<32xi32, #tpu.memory_space<vmem>>
    %dma_start3A_21 = arith.constant 0 : i32
    %dma_start3A_22 = arith.constant 0 : i32
    %dma_start3A_23 = tpu.memref_slice %arg3[%dma_start3A_21, %dma_start3A_22] : memref<1000000x64xf32, #tpu.memory_space<hbm>> -> memref<1000000x64xf32, #tpu.memory_space<hbm>>
    tpu.enqueue_indirect_dma source(%dma_start3A_23 : memref<1000000x64xf32, #tpu.memory_space<hbm>>) target(%dma_start3A_17 : memref<32x64xf32, #tpu.memory_space<vmem>>) offsets(%dma_start3A_20 : memref<32xi32, #tpu.memory_space<vmem>>) semaphore(%arg13 : memref<!tpu.dma_semaphore, #tpu.memory_space<semaphore_mem>>)
    %dma_start3A_24 = arith.constant 0 : i32
    %dma_start3A_25 = arith.constant 64 : i32
    %dma_start3A_26 = arith.constant 0 : i32
    %dma_start3A_27 = tpu.memref_slice %arg9[%dma_start3A_25, %dma_start3A_26] : memref<128x64xf32, #tpu.memory_space<vmem>> -> memref<32x64xf32, #tpu.memory_space<vmem>>
    %dma_start3A_28 = arith.constant 64 : i32
    %dma_start3A_29 = tpu.memref_slice %arg7[%dma_start3A_24, %dma_start3A_28] : memref<200x128xi32, #tpu.memory_space<vmem>> -> memref<1x32xi32, #tpu.memory_space<vmem>>
    %dma_start3A_30 = tpu.memref_squeeze %dma_start3A_29 : memref<1x32xi32, #tpu.memory_space<vmem>> -> memref<32xi32, #tpu.memory_space<vmem>>
    %dma_start3A_31 = arith.constant 0 : i32
    %dma_start3A_32 = arith.constant 0 : i32
    %dma_start3A_33 = tpu.memref_slice %arg3[%dma_start3A_31, %dma_start3A_32] : memref<1000000x64xf32, #tpu.memory_space<hbm>> -> memref<1000000x64xf32, #tpu.memory_space<hbm>>
    tpu.enqueue_indirect_dma source(%dma_start3A_33 : memref<1000000x64xf32, #tpu.memory_space<hbm>>) target(%dma_start3A_27 : memref<32x64xf32, #tpu.memory_space<vmem>>) offsets(%dma_start3A_30 : memref<32xi32, #tpu.memory_space<vmem>>) semaphore(%arg13 : memref<!tpu.dma_semaphore, #tpu.memory_space<semaphore_mem>>)
    %dma_start3A_34 = arith.constant 0 : i32
    %dma_start3A_35 = arith.constant 96 : i32
    %dma_start3A_36 = arith.constant 0 : i32
    %dma_start3A_37 = tpu.memref_slice %arg9[%dma_start3A_35, %dma_start3A_36] : memref<128x64xf32, #tpu.memory_space<vmem>> -> memref<32x64xf32, #tpu.memory_space<vmem>>
    %dma_start3A_38 = arith.constant 96 : i32
    %dma_start3A_39 = tpu.memref_slice %arg7[%dma_start3A_34, %dma_start3A_38] : memref<200x128xi32, #tpu.memory_space<vmem>> -> memref<1x32xi32, #tpu.memory_space<vmem>>
    %dma_start3A_40 = tpu.memref_squeeze %dma_start3A_39 : memref<1x32xi32, #tpu.memory_space<vmem>> -> memref<32xi32, #tpu.memory_space<vmem>>
    %dma_start3A_41 = arith.constant 0 : i32
    %dma_start3A_42 = arith.constant 0 : i32
    %dma_start3A_43 = tpu.memref_slice %arg3[%dma_start3A_41, %dma_start3A_42] : memref<1000000x64xf32, #tpu.memory_space<hbm>> -> memref<1000000x64xf32, #tpu.memory_space<hbm>>
    tpu.enqueue_indirect_dma source(%dma_start3A_43 : memref<1000000x64xf32, #tpu.memory_space<hbm>>) target(%dma_start3A_37 : memref<32x64xf32, #tpu.memory_space<vmem>>) offsets(%dma_start3A_40 : memref<32xi32, #tpu.memory_space<vmem>>) semaphore(%arg13 : memref<!tpu.dma_semaphore, #tpu.memory_space<semaphore_mem>>)
    %jit3A = arith.constant 8 : i32
    %div3A = vector.broadcast %jit3A : i32 to vector<16xi32>
    %div3A_44 = arith.divsi %iota3A, %div3A : vector<16xi32>
    %sign3A = arith.constant 0 : i32
    %sign3A_45 = vector.broadcast %sign3A : i32 to vector<16xi32>
    %sign3A_46 = arith.cmpi sgt, %iota3A, %sign3A_45 : vector<16xi32>
    %sign3A_47 = arith.extui %sign3A_46 : vector<16xi1> to vector<16xi32>
    %sign3A_48 = arith.constant 0 : i32
    %sign3A_49 = vector.broadcast %sign3A_48 : i32 to vector<16xi32>
    %sign3A_50 = arith.cmpi slt, %iota3A, %sign3A_49 : vector<16xi32>
    %sign3A_51 = arith.extui %sign3A_50 : vector<16xi1> to vector<16xi32>
    %sign3A_52 = arith.subi %sign3A_47, %sign3A_51 : vector<16xi32>
    %sign3A_53 = arith.constant 0 : i32
    %sign3A_54 = arith.cmpi sgt, %jit3A, %sign3A_53 : i32
    %sign3A_55 = arith.extui %sign3A_54 : i1 to i32
    %sign3A_56 = arith.constant 0 : i32
    %sign3A_57 = arith.cmpi slt, %jit3A, %sign3A_56 : i32
    %sign3A_58 = arith.extui %sign3A_57 : i1 to i32
    %sign3A_59 = arith.subi %sign3A_55, %sign3A_58 : i32
    %ne3A = vector.broadcast %sign3A_59 : i32 to vector<16xi32>
    %ne3A_60 = arith.cmpi ne, %sign3A_52, %ne3A : vector<16xi32>
    %rem3A = vector.broadcast %jit3A : i32 to vector<16xi32>
    %rem3A_61 = arith.remsi %iota3A, %rem3A : vector<16xi32>
    %ne3A_62 = arith.constant 0 : i32
    %ne3A_63 = vector.broadcast %ne3A_62 : i32 to vector<16xi32>
    %ne3A_64 = arith.cmpi ne, %rem3A_61, %ne3A_63 : vector<16xi32>
    %and3A = arith.andi %ne3A_60, %ne3A_64 : vector<16xi1>
    %sub3A = arith.constant 1 : i32
    %sub3A_65 = vector.broadcast %sub3A : i32 to vector<16xi32>
    %sub3A_66 = arith.subi %div3A_44, %sub3A_65 : vector<16xi32>
    %select_n3A = arith.select %and3A, %sub3A_66, %div3A_44 : vector<16xi1>, vector<16xi32>
    %add3A_67 = arith.constant 0 : i32
    %add3A_68 = vector.broadcast %add3A_67 : i32 to vector<16xi32>
    %add3A_69 = arith.addi %add3A_68, %select_n3A : vector<16xi32>
    %jit3A_70 = arith.constant 8 : i32
    %div3A_71 = vector.broadcast %jit3A_70 : i32 to vector<16xi32>
    %div3A_72 = arith.divsi %iota3A, %div3A_71 : vector<16xi32>
    %sign3A_73 = arith.constant 0 : i32
    %sign3A_74 = vector.broadcast %sign3A_73 : i32 to vector<16xi32>
    %sign3A_75 = arith.cmpi sgt, %iota3A, %sign3A_74 : vector<16xi32>
    %sign3A_76 = arith.extui %sign3A_75 : vector<16xi1> to vector<16xi32>
    %sign3A_77 = arith.constant 0 : i32
    %sign3A_78 = vector.broadcast %sign3A_77 : i32 to vector<16xi32>
    %sign3A_79 = arith.cmpi slt, %iota3A, %sign3A_78 : vector<16xi32>
    %sign3A_80 = arith.extui %sign3A_79 : vector<16xi1> to vector<16xi32>
    %sign3A_81 = arith.subi %sign3A_76, %sign3A_80 : vector<16xi32>
    %sign3A_82 = arith.constant 0 : i32
    %sign3A_83 = arith.cmpi sgt, %jit3A_70, %sign3A_82 : i32
    %sign3A_84 = arith.extui %sign3A_83 : i1 to i32
    %sign3A_85 = arith.constant 0 : i32
    %sign3A_86 = arith.cmpi slt, %jit3A_70, %sign3A_85 : i32
    %sign3A_87 = arith.extui %sign3A_86 : i1 to i32
    %sign3A_88 = arith.subi %sign3A_84, %sign3A_87 : i32
    %ne3A_89 = vector.broadcast %sign3A_88 : i32 to vector<16xi32>
    %ne3A_90 = arith.cmpi ne, %sign3A_81, %ne3A_89 : vector<16xi32>
    %rem3A_91 = vector.broadcast %jit3A_70 : i32 to vector<16xi32>
    %rem3A_92 = arith.remsi %iota3A, %rem3A_91 : vector<16xi32>
    %ne3A_93 = arith.constant 0 : i32
    %ne3A_94 = vector.broadcast %ne3A_93 : i32 to vector<16xi32>
    %ne3A_95 = arith.cmpi ne, %rem3A_92, %ne3A_94 : vector<16xi32>
    %and3A_96 = arith.andi %ne3A_90, %ne3A_95 : vector<16xi1>
    %sub3A_97 = arith.constant 1 : i32
    %sub3A_98 = vector.broadcast %sub3A_97 : i32 to vector<16xi32>
    %sub3A_99 = arith.subi %div3A_72, %sub3A_98 : vector<16xi32>
    %select_n3A_100 = arith.select %and3A_96, %sub3A_99, %div3A_72 : vector<16xi1>, vector<16xi32>
    %add3A_101 = arith.constant 2 : i32
    %add3A_102 = vector.broadcast %add3A_101 : i32 to vector<16xi32>
    %add3A_103 = arith.addi %add3A_102, %select_n3A_100 : vector<16xi32>
    %jit3A_104 = arith.constant 8 : i32
    %div3A_105 = vector.broadcast %jit3A_104 : i32 to vector<16xi32>
    %div3A_106 = arith.divsi %iota3A, %div3A_105 : vector<16xi32>
    %sign3A_107 = arith.constant 0 : i32
    %sign3A_108 = vector.broadcast %sign3A_107 : i32 to vector<16xi32>
    %sign3A_109 = arith.cmpi sgt, %iota3A, %sign3A_108 : vector<16xi32>
    %sign3A_110 = arith.extui %sign3A_109 : vector<16xi1> to vector<16xi32>
    %sign3A_111 = arith.constant 0 : i32
    %sign3A_112 = vector.broadcast %sign3A_111 : i32 to vector<16xi32>
    %sign3A_113 = arith.cmpi slt, %iota3A, %sign3A_112 : vector<16xi32>
    %sign3A_114 = arith.extui %sign3A_113 : vector<16xi1> to vector<16xi32>
    %sign3A_115 = arith.subi %sign3A_110, %sign3A_114 : vector<16xi32>
    %sign3A_116 = arith.constant 0 : i32
    %sign3A_117 = arith.cmpi sgt, %jit3A_104, %sign3A_116 : i32
    %sign3A_118 = arith.extui %sign3A_117 : i1 to i32
    %sign3A_119 = arith.constant 0 : i32
    %sign3A_120 = arith.cmpi slt, %jit3A_104, %sign3A_119 : i32
    %sign3A_121 = arith.extui %sign3A_120 : i1 to i32
    %sign3A_122 = arith.subi %sign3A_118, %sign3A_121 : i32
    %ne3A_123 = vector.broadcast %sign3A_122 : i32 to vector<16xi32>
    %ne3A_124 = arith.cmpi ne, %sign3A_115, %ne3A_123 : vector<16xi32>
    %rem3A_125 = vector.broadcast %jit3A_104 : i32 to vector<16xi32>
    %rem3A_126 = arith.remsi %iota3A, %rem3A_125 : vector<16xi32>
    %ne3A_127 = arith.constant 0 : i32
    %ne3A_128 = vector.broadcast %ne3A_127 : i32 to vector<16xi32>
    %ne3A_129 = arith.cmpi ne, %rem3A_126, %ne3A_128 : vector<16xi32>
    %and3A_130 = arith.andi %ne3A_124, %ne3A_129 : vector<16xi1>
    %sub3A_131 = arith.constant 1 : i32
    %sub3A_132 = vector.broadcast %sub3A_131 : i32 to vector<16xi32>
    %sub3A_133 = arith.subi %div3A_106, %sub3A_132 : vector<16xi32>
    %select_n3A_134 = arith.select %and3A_130, %sub3A_133, %div3A_106 : vector<16xi1>, vector<16xi32>
    %add3A_135 = arith.constant 4 : i32
    %add3A_136 = vector.broadcast %add3A_135 : i32 to vector<16xi32>
    %add3A_137 = arith.addi %add3A_136, %select_n3A_134 : vector<16xi32>
    %jit3A_138 = arith.constant 8 : i32
    %div3A_139 = vector.broadcast %jit3A_138 : i32 to vector<16xi32>
    %div3A_140 = arith.divsi %iota3A, %div3A_139 : vector<16xi32>
    %sign3A_141 = arith.constant 0 : i32
    %sign3A_142 = vector.broadcast %sign3A_141 : i32 to vector<16xi32>
    %sign3A_143 = arith.cmpi sgt, %iota3A, %sign3A_142 : vector<16xi32>
    %sign3A_144 = arith.extui %sign3A_143 : vector<16xi1> to vector<16xi32>
    %sign3A_145 = arith.constant 0 : i32
    %sign3A_146 = vector.broadcast %sign3A_145 : i32 to vector<16xi32>
    %sign3A_147 = arith.cmpi slt, %iota3A, %sign3A_146 : vector<16xi32>
    %sign3A_148 = arith.extui %sign3A_147 : vector<16xi1> to vector<16xi32>
    %sign3A_149 = arith.subi %sign3A_144, %sign3A_148 : vector<16xi32>
    %sign3A_150 = arith.constant 0 : i32
    %sign3A_151 = arith.cmpi sgt, %jit3A_138, %sign3A_150 : i32
    %sign3A_152 = arith.extui %sign3A_151 : i1 to i32
    %sign3A_153 = arith.constant 0 : i32
    %sign3A_154 = arith.cmpi slt, %jit3A_138, %sign3A_153 : i32
    %sign3A_155 = arith.extui %sign3A_154 : i1 to i32
    %sign3A_156 = arith.subi %sign3A_152, %sign3A_155 : i32
    %ne3A_157 = vector.broadcast %sign3A_156 : i32 to vector<16xi32>
    %ne3A_158 = arith.cmpi ne, %sign3A_149, %ne3A_157 : vector<16xi32>
    %rem3A_159 = vector.broadcast %jit3A_138 : i32 to vector<16xi32>
    %rem3A_160 = arith.remsi %iota3A, %rem3A_159 : vector<16xi32>
    %ne3A_161 = arith.constant 0 : i32
    %ne3A_162 = vector.broadcast %ne3A_161 : i32 to vector<16xi32>
    %ne3A_163 = arith.cmpi ne, %rem3A_160, %ne3A_162 : vector<16xi32>
    %and3A_164 = arith.andi %ne3A_158, %ne3A_163 : vector<16xi1>
    %sub3A_165 = arith.constant 1 : i32
    %sub3A_166 = vector.broadcast %sub3A_165 : i32 to vector<16xi32>
    %sub3A_167 = arith.subi %div3A_140, %sub3A_166 : vector<16xi32>
    %select_n3A_168 = arith.select %and3A_164, %sub3A_167, %div3A_140 : vector<16xi1>, vector<16xi32>
    %add3A_169 = arith.constant 6 : i32
    %add3A_170 = vector.broadcast %add3A_169 : i32 to vector<16xi32>
    %add3A_171 = arith.addi %add3A_170, %select_n3A_168 : vector<16xi32>
    %jit3A_172 = arith.constant 8 : i32
    %eq3A = arith.constant 0 : i32
    %eq3A_173 = arith.cmpi eq, %jit3A_172, %eq3A : i32
    %jit3A_174 = arith.constant 1 : i32
    %select_n3A_175 = arith.select %eq3A_173, %jit3A_174, %jit3A_172 : i32
    %rem3A_176 = vector.broadcast %select_n3A_175 : i32 to vector<16xi32>
    %rem3A_177 = arith.remsi %iota3A, %rem3A_176 : vector<16xi32>
    %ne3A_178 = arith.constant 0 : i32
    %ne3A_179 = vector.broadcast %ne3A_178 : i32 to vector<16xi32>
    %ne3A_180 = arith.cmpi ne, %rem3A_177, %ne3A_179 : vector<16xi32>
    %lt3A = arith.constant 0 : i32
    %lt3A_181 = vector.broadcast %lt3A : i32 to vector<16xi32>
    %lt3A_182 = arith.cmpi slt, %rem3A_177, %lt3A_181 : vector<16xi32>
    %lt3A_183 = arith.constant 0 : i32
    %lt3A_184 = arith.cmpi slt, %select_n3A_175, %lt3A_183 : i32
    %ne3A_185 = vector.broadcast %lt3A_184 : i1 to vector<16xi1>
    %ne3A_186 = vector.broadcast %ne3A_185 : vector<16xi1> to vector<16xi1>
    %ne3A_187 = arith.xori %lt3A_182, %ne3A_186 : vector<16xi1>
    %and3A_188 = arith.andi %ne3A_187, %ne3A_180 : vector<16xi1>
    %add3A_189 = vector.broadcast %select_n3A_175 : i32 to vector<16xi32>
    %add3A_190 = arith.addi %rem3A_177, %add3A_189 : vector<16xi32>
    %select_n3A_191 = arith.select %and3A_188, %add3A_190, %rem3A_177 : vector<16xi1>, vector<16xi32>
    %scan3A = arith.constant 0 : i32
    %scan3A_192 = arith.constant 0 : i32
    %scan3A_193 = arith.constant 100 : i32
    %scan3A_194 = arith.addi %scan3A_192, %scan3A_193 : i32
    %scan3A_195 = arith.constant 1 : i32
    scf.for %scan3A_236 = %scan3A_192 to %scan3A_194 step %scan3A_195  : i32 {
      %mul3A_237 = arith.constant 2 : i32
      %mul3A_238 = arith.muli %mul3A_237, %scan3A_236 : i32
      %add3A_239 = arith.constant 1 : i32
      %add3A_240 = arith.addi %mul3A_238, %add3A_239 : i32
      %lt3A_241 = arith.constant 200 : i32
      %lt3A_242 = arith.cmpi slt, %add3A_240, %lt3A_241 : i32
      %convert_element_type3A = arith.extui %lt3A_242 : i1 to i32
      %cond3A = arith.constant 0 : i32
      %cond3A_243 = arith.cmpi ne, %convert_element_type3A, %cond3A : i32
      scf.if %cond3A_243 {
        %add3A_341 = arith.constant 1 : i32
        %add3A_342 = arith.addi %mul3A_238, %add3A_341 : i32
        %dma_start3A_343 = arith.constant 0 : i32
        %dma_start3A_344 = arith.constant 0 : i32
        %dma_start3A_345 = tpu.memref_slice %arg10[%dma_start3A_343, %dma_start3A_344] : memref<128x64xf32, #tpu.memory_space<vmem>> -> memref<32x64xf32, #tpu.memory_space<vmem>>
        %dma_start3A_346 = arith.constant 0 : i32
        %dma_start3A_347 = tpu.memref_slice %arg7[%add3A_342, %dma_start3A_346] : memref<200x128xi32, #tpu.memory_space<vmem>> -> memref<1x32xi32, #tpu.memory_space<vmem>>
        %dma_start3A_348 = tpu.memref_squeeze %dma_start3A_347 : memref<1x32xi32, #tpu.memory_space<vmem>> -> memref<32xi32, #tpu.memory_space<vmem>>
        %dma_start3A_349 = arith.constant 0 : i32
        %dma_start3A_350 = arith.constant 0 : i32
        %dma_start3A_351 = tpu.memref_slice %arg3[%dma_start3A_349, %dma_start3A_350] : memref<1000000x64xf32, #tpu.memory_space<hbm>> -> memref<1000000x64xf32, #tpu.memory_space<hbm>>
        tpu.enqueue_indirect_dma source(%dma_start3A_351 : memref<1000000x64xf32, #tpu.memory_space<hbm>>) target(%dma_start3A_345 : memref<32x64xf32, #tpu.memory_space<vmem>>) offsets(%dma_start3A_348 : memref<32xi32, #tpu.memory_space<vmem>>) semaphore(%arg14 : memref<!tpu.dma_semaphore, #tpu.memory_space<semaphore_mem>>)
        %dma_start3A_352 = arith.constant 32 : i32
        %dma_start3A_353 = arith.constant 0 : i32
        %dma_start3A_354 = tpu.memref_slice %arg10[%dma_start3A_352, %dma_start3A_353] : memref<128x64xf32, #tpu.memory_space<vmem>> -> memref<32x64xf32, #tpu.memory_space<vmem>>
        %dma_start3A_355 = arith.constant 32 : i32
        %dma_start3A_356 = tpu.memref_slice %arg7[%add3A_342, %dma_start3A_355] : memref<200x128xi32, #tpu.memory_space<vmem>> -> memref<1x32xi32, #tpu.memory_space<vmem>>
        %dma_start3A_357 = tpu.memref_squeeze %dma_start3A_356 : memref<1x32xi32, #tpu.memory_space<vmem>> -> memref<32xi32, #tpu.memory_space<vmem>>
        %dma_start3A_358 = arith.constant 0 : i32
        %dma_start3A_359 = arith.constant 0 : i32
        %dma_start3A_360 = tpu.memref_slice %arg3[%dma_start3A_358, %dma_start3A_359] : memref<1000000x64xf32, #tpu.memory_space<hbm>> -> memref<1000000x64xf32, #tpu.memory_space<hbm>>
        tpu.enqueue_indirect_dma source(%dma_start3A_360 : memref<1000000x64xf32, #tpu.memory_space<hbm>>) target(%dma_start3A_354 : memref<32x64xf32, #tpu.memory_space<vmem>>) offsets(%dma_start3A_357 : memref<32xi32, #tpu.memory_space<vmem>>) semaphore(%arg14 : memref<!tpu.dma_semaphore, #tpu.memory_space<semaphore_mem>>)
        %dma_start3A_361 = arith.constant 64 : i32
        %dma_start3A_362 = arith.constant 0 : i32
        %dma_start3A_363 = tpu.memref_slice %arg10[%dma_start3A_361, %dma_start3A_362] : memref<128x64xf32, #tpu.memory_space<vmem>> -> memref<32x64xf32, #tpu.memory_space<vmem>>
        %dma_start3A_364 = arith.constant 64 : i32
        %dma_start3A_365 = tpu.memref_slice %arg7[%add3A_342, %dma_start3A_364] : memref<200x128xi32, #tpu.memory_space<vmem>> -> memref<1x32xi32, #tpu.memory_space<vmem>>
        %dma_start3A_366 = tpu.memref_squeeze %dma_start3A_365 : memref<1x32xi32, #tpu.memory_space<vmem>> -> memref<32xi32, #tpu.memory_space<vmem>>
        %dma_start3A_367 = arith.constant 0 : i32
        %dma_start3A_368 = arith.constant 0 : i32
        %dma_start3A_369 = tpu.memref_slice %arg3[%dma_start3A_367, %dma_start3A_368] : memref<1000000x64xf32, #tpu.memory_space<hbm>> -> memref<1000000x64xf32, #tpu.memory_space<hbm>>
        tpu.enqueue_indirect_dma source(%dma_start3A_369 : memref<1000000x64xf32, #tpu.memory_space<hbm>>) target(%dma_start3A_363 : memref<32x64xf32, #tpu.memory_space<vmem>>) offsets(%dma_start3A_366 : memref<32xi32, #tpu.memory_space<vmem>>) semaphore(%arg14 : memref<!tpu.dma_semaphore, #tpu.memory_space<semaphore_mem>>)
        %dma_start3A_370 = arith.constant 96 : i32
        %dma_start3A_371 = arith.constant 0 : i32
        %dma_start3A_372 = tpu.memref_slice %arg10[%dma_start3A_370, %dma_start3A_371] : memref<128x64xf32, #tpu.memory_space<vmem>> -> memref<32x64xf32, #tpu.memory_space<vmem>>
        %dma_start3A_373 = arith.constant 96 : i32
        %dma_start3A_374 = tpu.memref_slice %arg7[%add3A_342, %dma_start3A_373] : memref<200x128xi32, #tpu.memory_space<vmem>> -> memref<1x32xi32, #tpu.memory_space<vmem>>
        %dma_start3A_375 = tpu.memref_squeeze %dma_start3A_374 : memref<1x32xi32, #tpu.memory_space<vmem>> -> memref<32xi32, #tpu.memory_space<vmem>>
        %dma_start3A_376 = arith.constant 0 : i32
        %dma_start3A_377 = arith.constant 0 : i32
        %dma_start3A_378 = tpu.memref_slice %arg3[%dma_start3A_376, %dma_start3A_377] : memref<1000000x64xf32, #tpu.memory_space<hbm>> -> memref<1000000x64xf32, #tpu.memory_space<hbm>>
        tpu.enqueue_indirect_dma source(%dma_start3A_378 : memref<1000000x64xf32, #tpu.memory_space<hbm>>) target(%dma_start3A_372 : memref<32x64xf32, #tpu.memory_space<vmem>>) offsets(%dma_start3A_375 : memref<32xi32, #tpu.memory_space<vmem>>) semaphore(%arg14 : memref<!tpu.dma_semaphore, #tpu.memory_space<semaphore_mem>>)
      } else {
      }
      %dma_wait3A_244 = arith.constant 0 : i32
      %dma_wait3A_245 = arith.constant 0 : i32
      %dma_wait3A_246 = tpu.memref_slice %arg3[%dma_wait3A_244, %dma_wait3A_245] : memref<1000000x64xf32, #tpu.memory_space<hbm>> -> memref<128x64xf32, #tpu.memory_space<hbm>>
      %dma_wait3A_247 = arith.constant 0 : i32
      %dma_wait3A_248 = arith.constant 0 : i32
      %dma_wait3A_249 = tpu.memref_slice %arg3[%dma_wait3A_247, %dma_wait3A_248] : memref<1000000x64xf32, #tpu.memory_space<hbm>> -> memref<128x64xf32, #tpu.memory_space<hbm>>
      tpu.wait_dma2 semaphore(%arg13 : memref<!tpu.dma_semaphore, #tpu.memory_space<semaphore_mem>>) src(%dma_wait3A_249 : memref<128x64xf32, #tpu.memory_space<hbm>>) dst(%arg9 : memref<128x64xf32, #tpu.memory_space<vmem>>)
      %ge3A = arith.constant 2 : i32
      %ge3A_250 = arith.cmpi sge, %mul3A_238, %ge3A : i32
      %convert_element_type3A_251 = arith.extui %ge3A_250 : i1 to i32
      %cond3A_252 = arith.constant 0 : i32
      %cond3A_253 = arith.cmpi ne, %convert_element_type3A_251, %cond3A_252 : i32
      scf.if %cond3A_253 {
        %dma_wait3A_341 = arith.constant 0 : i32
        %dma_wait3A_342 = arith.constant 0 : i32
        %dma_wait3A_343 = arith.constant 0 : i32
        %dma_wait3A_344 = arith.constant 0 : i32
        %dma_wait3A_345 = arith.constant 0 : i32
        %dma_wait3A_346 = tpu.memref_slice %arg11[%dma_wait3A_343, %dma_wait3A_344, %dma_wait3A_345] : memref<8x8x129xf32, #tpu.memory_space<vmem>> -> memref<8x8x128xf32, #tpu.memory_space<vmem>>
        %dma_wait3A_347 = arith.constant 0 : i32
        %dma_wait3A_348 = arith.constant 0 : i32
        %dma_wait3A_349 = arith.constant 0 : i32
        %dma_wait3A_350 = tpu.memref_slice %arg5[%dma_wait3A_341, %dma_wait3A_347, %dma_wait3A_342, %dma_wait3A_348, %dma_wait3A_349] : memref<200x8x32x8x128xf32, #tpu.memory_space<hbm>> -> memref<1x8x1x8x128xf32, #tpu.memory_space<hbm>>
        %dma_wait3A_351 = tpu.memref_squeeze %dma_wait3A_350 : memref<1x8x1x8x128xf32, #tpu.memory_space<hbm>> -> memref<8x8x128xf32, #tpu.memory_space<hbm>>
        %dma_wait3A_352 = arith.constant 0 : i32
        %dma_wait3A_353 = arith.constant 0 : i32
        %dma_wait3A_354 = arith.constant 0 : i32
        %dma_wait3A_355 = tpu.memref_slice %arg5[%dma_wait3A_341, %dma_wait3A_352, %dma_wait3A_342, %dma_wait3A_353, %dma_wait3A_354] : memref<200x8x32x8x128xf32, #tpu.memory_space<hbm>> -> memref<1x8x1x8x128xf32, #tpu.memory_space<hbm>>
        %dma_wait3A_356 = tpu.memref_squeeze %dma_wait3A_355 : memref<1x8x1x8x128xf32, #tpu.memory_space<hbm>> -> memref<8x8x128xf32, #tpu.memory_space<hbm>>
        %dma_wait3A_357 = arith.constant 0 : i32
        %dma_wait3A_358 = arith.constant 0 : i32
        %dma_wait3A_359 = arith.constant 0 : i32
        %dma_wait3A_360 = tpu.memref_slice %arg11[%dma_wait3A_357, %dma_wait3A_358, %dma_wait3A_359] : memref<8x8x129xf32, #tpu.memory_space<vmem>> -> memref<8x8x128xf32, #tpu.memory_space<vmem>>
        tpu.wait_dma2 semaphore(%arg15 : memref<!tpu.dma_semaphore, #tpu.memory_space<semaphore_mem>>) src(%dma_wait3A_360 : memref<8x8x128xf32, #tpu.memory_space<vmem>>) dst(%dma_wait3A_356 : memref<8x8x128xf32, #tpu.memory_space<hbm>>)
      } else {
      }
      %get3A = arith.index_cast %mul3A_238 : i32 to index
      %get3A_254 = arith.constant 0 : index
      %get3A_255 = tpu.vector_load %arg8[%get3A, %get3A_254] {strides = array<i32>} : memref<200x64xf32, #tpu.memory_space<vmem>>, vector<16xf32>,
      %get3A_256 = arith.index_cast %mul3A_238 : i32 to index
      %get3A_257 = arith.constant 16 : index
      %get3A_258 = tpu.vector_load %arg8[%get3A_256, %get3A_257] {strides = array<i32>} : memref<200x64xf32, #tpu.memory_space<vmem>>, vector<16xf32>,
      %get3A_259 = arith.index_cast %mul3A_238 : i32 to index
      %get3A_260 = arith.constant 32 : index
      %get3A_261 = tpu.vector_load %arg8[%get3A_259, %get3A_260] {strides = array<i32>} : memref<200x64xf32, #tpu.memory_space<vmem>>, vector<16xf32>,
      %get3A_262 = arith.index_cast %mul3A_238 : i32 to index
      %get3A_263 = arith.constant 48 : index
      %get3A_264 = tpu.vector_load %arg8[%get3A_262, %get3A_263] {strides = array<i32>} : memref<200x64xf32, #tpu.memory_space<vmem>>, vector<16xf32>,
      %parallel_loop3A_265 = arith.constant 0 : i32
      %parallel_loop3A_266 = arith.constant 128 : i32
      %parallel_loop3A_267 = arith.constant 1 : i32
      scf.for %parallel_loop3A_341 = %parallel_loop3A_265 to %parallel_loop3A_266 step %parallel_loop3A_267  : i32 {
        %parallel_loop3A_342 = vector.broadcast %parallel_loop3A_341 : i32 to vector<16xi32>
        %parallel_loop3A_343 = arith.index_cast %parallel_loop3A_341 : i32 to index
        %parallel_loop3A_344 = arith.constant 0 : index
        %parallel_loop3A_345 = tpu.vector_load %arg9[%parallel_loop3A_343, %parallel_loop3A_344] {strides = array<i32>} : memref<128x64xf32, #tpu.memory_space<vmem>>, vector<16xf32>,
        %parallel_loop3A_346 = arith.addf %parallel_loop3A_345, %get3A_255 : vector<16xf32>
        tpu.vector_store_idx %arg11[%add3A_69, %select_n3A_191, %parallel_loop3A_342], %parallel_loop3A_346 : memref<8x8x129xf32, #tpu.memory_space<vmem>>[vector<16xi32>, vector<16xi32>, vector<16xi32>], vector<16xf32>,
        %parallel_loop3A_347 = arith.index_cast %parallel_loop3A_341 : i32 to index
        %parallel_loop3A_348 = arith.constant 16 : index
        %parallel_loop3A_349 = tpu.vector_load %arg9[%parallel_loop3A_347, %parallel_loop3A_348] {strides = array<i32>} : memref<128x64xf32, #tpu.memory_space<vmem>>, vector<16xf32>,
        %parallel_loop3A_350 = arith.addf %parallel_loop3A_349, %get3A_258 : vector<16xf32>
        tpu.vector_store_idx %arg11[%add3A_103, %select_n3A_191, %parallel_loop3A_342], %parallel_loop3A_350 : memref<8x8x129xf32, #tpu.memory_space<vmem>>[vector<16xi32>, vector<16xi32>, vector<16xi32>], vector<16xf32>,
        %parallel_loop3A_351 = arith.index_cast %parallel_loop3A_341 : i32 to index
        %parallel_loop3A_352 = arith.constant 32 : index
        %parallel_loop3A_353 = tpu.vector_load %arg9[%parallel_loop3A_351, %parallel_loop3A_352] {strides = array<i32>} : memref<128x64xf32, #tpu.memory_space<vmem>>, vector<16xf32>,
        %parallel_loop3A_354 = arith.addf %parallel_loop3A_353, %get3A_261 : vector<16xf32>
        tpu.vector_store_idx %arg11[%add3A_137, %select_n3A_191, %parallel_loop3A_342], %parallel_loop3A_354 : memref<8x8x129xf32, #tpu.memory_space<vmem>>[vector<16xi32>, vector<16xi32>, vector<16xi32>], vector<16xf32>,
        %parallel_loop3A_355 = arith.index_cast %parallel_loop3A_341 : i32 to index
        %parallel_loop3A_356 = arith.constant 48 : index
        %parallel_loop3A_357 = tpu.vector_load %arg9[%parallel_loop3A_355, %parallel_loop3A_356] {strides = array<i32>} : memref<128x64xf32, #tpu.memory_space<vmem>>, vector<16xf32>,
        %parallel_loop3A_358 = arith.addf %parallel_loop3A_357, %get3A_264 : vector<16xf32>
        tpu.vector_store_idx %arg11[%add3A_171, %select_n3A_191, %parallel_loop3A_342], %parallel_loop3A_358 : memref<8x8x129xf32, #tpu.memory_space<vmem>>[vector<16xi32>, vector<16xi32>, vector<16xi32>], vector<16xf32>,
      } {sc.loop_unroll_factor = 4 : i64, sc.parallel_access}
      %dma_start3A_268 = arith.constant 0 : i32
      %dma_start3A_269 = arith.constant 0 : i32
      %dma_start3A_270 = arith.constant 0 : i32
      %dma_start3A_271 = tpu.memref_slice %arg11[%dma_start3A_268, %dma_start3A_269, %dma_start3A_270] : memref<8x8x129xf32, #tpu.memory_space<vmem>> -> memref<8x8x128xf32, #tpu.memory_space<vmem>>
      %dma_start3A_272 = arith.constant 0 : i32
      %dma_start3A_273 = arith.constant 0 : i32
      %dma_start3A_274 = arith.constant 0 : i32
      %dma_start3A_275 = tpu.memref_slice %arg5[%mul3A_238, %dma_start3A_272, %add3A, %dma_start3A_273, %dma_start3A_274] : memref<200x8x32x8x128xf32, #tpu.memory_space<hbm>> -> memref<1x8x1x8x128xf32, #tpu.memory_space<hbm>>
      %dma_start3A_276 = tpu.memref_squeeze %dma_start3A_275 : memref<1x8x1x8x128xf32, #tpu.memory_space<hbm>> -> memref<8x8x128xf32, #tpu.memory_space<hbm>>
      %dma_start3A_277 = arith.constant 0 : i32
      %dma_start3A_278 = arith.constant 0 : i32
      %dma_start3A_279 = arith.constant 0 : i32
      %dma_start3A_280 = tpu.memref_slice %arg5[%mul3A_238, %dma_start3A_277, %add3A, %dma_start3A_278, %dma_start3A_279] : memref<200x8x32x8x128xf32, #tpu.memory_space<hbm>> -> memref<1x8x1x8x128xf32, #tpu.memory_space<hbm>>
      %dma_start3A_281 = tpu.memref_squeeze %dma_start3A_280 : memref<1x8x1x8x128xf32, #tpu.memory_space<hbm>> -> memref<8x8x128xf32, #tpu.memory_space<hbm>>
      %dma_start3A_282 = arith.constant 0 : i32
      %dma_start3A_283 = arith.constant 0 : i32
      %dma_start3A_284 = arith.constant 0 : i32
      %dma_start3A_285 = tpu.memref_slice %arg11[%dma_start3A_282, %dma_start3A_283, %dma_start3A_284] : memref<8x8x129xf32, #tpu.memory_space<vmem>> -> memref<8x8x128xf32, #tpu.memory_space<vmem>>
      tpu.enqueue_dma source(%dma_start3A_285 : memref<8x8x128xf32, #tpu.memory_space<vmem>>) target(%dma_start3A_281 : memref<8x8x128xf32, #tpu.memory_space<hbm>>) target_semaphore(%arg15 : memref<!tpu.dma_semaphore, #tpu.memory_space<semaphore_mem>>)
      %mul3A_286 = arith.constant 2 : i32
      %mul3A_287 = arith.muli %mul3A_286, %scan3A_236 : i32
      %add3A_288 = arith.constant 1 : i32
      %add3A_289 = arith.addi %mul3A_287, %add3A_288 : i32
      %add3A_290 = arith.constant 1 : i32
      %add3A_291 = arith.addi %add3A_289, %add3A_290 : i32
      %lt3A_292 = arith.constant 200 : i32
      %lt3A_293 = arith.cmpi slt, %add3A_291, %lt3A_292 : i32
      %convert_element_type3A_294 = arith.extui %lt3A_293 : i1 to i32
      %cond3A_295 = arith.constant 0 : i32
      %cond3A_296 = arith.cmpi ne, %convert_element_type3A_294, %cond3A_295 : i32
      scf.if %cond3A_296 {
        %add3A_341 = arith.constant 1 : i32
        %add3A_342 = arith.addi %add3A_289, %add3A_341 : i32
        %dma_start3A_343 = arith.constant 0 : i32
        %dma_start3A_344 = arith.constant 0 : i32
        %dma_start3A_345 = tpu.memref_slice %arg9[%dma_start3A_343, %dma_start3A_344] : memref<128x64xf32, #tpu.memory_space<vmem>> -> memref<32x64xf32, #tpu.memory_space<vmem>>
        %dma_start3A_346 = arith.constant 0 : i32
        %dma_start3A_347 = tpu.memref_slice %arg7[%add3A_342, %dma_start3A_346] : memref<200x128xi32, #tpu.memory_space<vmem>> -> memref<1x32xi32, #tpu.memory_space<vmem>>
        %dma_start3A_348 = tpu.memref_squeeze %dma_start3A_347 : memref<1x32xi32, #tpu.memory_space<vmem>> -> memref<32xi32, #tpu.memory_space<vmem>>
        %dma_start3A_349 = arith.constant 0 : i32
        %dma_start3A_350 = arith.constant 0 : i32
        %dma_start3A_351 = tpu.memref_slice %arg3[%dma_start3A_349, %dma_start3A_350] : memref<1000000x64xf32, #tpu.memory_space<hbm>> -> memref<1000000x64xf32, #tpu.memory_space<hbm>>
        tpu.enqueue_indirect_dma source(%dma_start3A_351 : memref<1000000x64xf32, #tpu.memory_space<hbm>>) target(%dma_start3A_345 : memref<32x64xf32, #tpu.memory_space<vmem>>) offsets(%dma_start3A_348 : memref<32xi32, #tpu.memory_space<vmem>>) semaphore(%arg13 : memref<!tpu.dma_semaphore, #tpu.memory_space<semaphore_mem>>)
        %dma_start3A_352 = arith.constant 32 : i32
        %dma_start3A_353 = arith.constant 0 : i32
        %dma_start3A_354 = tpu.memref_slice %arg9[%dma_start3A_352, %dma_start3A_353] : memref<128x64xf32, #tpu.memory_space<vmem>> -> memref<32x64xf32, #tpu.memory_space<vmem>>
        %dma_start3A_355 = arith.constant 32 : i32
        %dma_start3A_356 = tpu.memref_slice %arg7[%add3A_342, %dma_start3A_355] : memref<200x128xi32, #tpu.memory_space<vmem>> -> memref<1x32xi32, #tpu.memory_space<vmem>>
        %dma_start3A_357 = tpu.memref_squeeze %dma_start3A_356 : memref<1x32xi32, #tpu.memory_space<vmem>> -> memref<32xi32, #tpu.memory_space<vmem>>
        %dma_start3A_358 = arith.constant 0 : i32
        %dma_start3A_359 = arith.constant 0 : i32
        %dma_start3A_360 = tpu.memref_slice %arg3[%dma_start3A_358, %dma_start3A_359] : memref<1000000x64xf32, #tpu.memory_space<hbm>> -> memref<1000000x64xf32, #tpu.memory_space<hbm>>
        tpu.enqueue_indirect_dma source(%dma_start3A_360 : memref<1000000x64xf32, #tpu.memory_space<hbm>>) target(%dma_start3A_354 : memref<32x64xf32, #tpu.memory_space<vmem>>) offsets(%dma_start3A_357 : memref<32xi32, #tpu.memory_space<vmem>>) semaphore(%arg13 : memref<!tpu.dma_semaphore, #tpu.memory_space<semaphore_mem>>)
        %dma_start3A_361 = arith.constant 64 : i32
        %dma_start3A_362 = arith.constant 0 : i32
        %dma_start3A_363 = tpu.memref_slice %arg9[%dma_start3A_361, %dma_start3A_362] : memref<128x64xf32, #tpu.memory_space<vmem>> -> memref<32x64xf32, #tpu.memory_space<vmem>>
        %dma_start3A_364 = arith.constant 64 : i32
        %dma_start3A_365 = tpu.memref_slice %arg7[%add3A_342, %dma_start3A_364] : memref<200x128xi32, #tpu.memory_space<vmem>> -> memref<1x32xi32, #tpu.memory_space<vmem>>
        %dma_start3A_366 = tpu.memref_squeeze %dma_start3A_365 : memref<1x32xi32, #tpu.memory_space<vmem>> -> memref<32xi32, #tpu.memory_space<vmem>>
        %dma_start3A_367 = arith.constant 0 : i32
        %dma_start3A_368 = arith.constant 0 : i32
        %dma_start3A_369 = tpu.memref_slice %arg3[%dma_start3A_367, %dma_start3A_368] : memref<1000000x64xf32, #tpu.memory_space<hbm>> -> memref<1000000x64xf32, #tpu.memory_space<hbm>>
        tpu.enqueue_indirect_dma source(%dma_start3A_369 : memref<1000000x64xf32, #tpu.memory_space<hbm>>) target(%dma_start3A_363 : memref<32x64xf32, #tpu.memory_space<vmem>>) offsets(%dma_start3A_366 : memref<32xi32, #tpu.memory_space<vmem>>) semaphore(%arg13 : memref<!tpu.dma_semaphore, #tpu.memory_space<semaphore_mem>>)
        %dma_start3A_370 = arith.constant 96 : i32
        %dma_start3A_371 = arith.constant 0 : i32
        %dma_start3A_372 = tpu.memref_slice %arg9[%dma_start3A_370, %dma_start3A_371] : memref<128x64xf32, #tpu.memory_space<vmem>> -> memref<32x64xf32, #tpu.memory_space<vmem>>
        %dma_start3A_373 = arith.constant 96 : i32
        %dma_start3A_374 = tpu.memref_slice %arg7[%add3A_342, %dma_start3A_373] : memref<200x128xi32, #tpu.memory_space<vmem>> -> memref<1x32xi32, #tpu.memory_space<vmem>>
        %dma_start3A_375 = tpu.memref_squeeze %dma_start3A_374 : memref<1x32xi32, #tpu.memory_space<vmem>> -> memref<32xi32, #tpu.memory_space<vmem>>
        %dma_start3A_376 = arith.constant 0 : i32
        %dma_start3A_377 = arith.constant 0 : i32
        %dma_start3A_378 = tpu.memref_slice %arg3[%dma_start3A_376, %dma_start3A_377] : memref<1000000x64xf32, #tpu.memory_space<hbm>> -> memref<1000000x64xf32, #tpu.memory_space<hbm>>
        tpu.enqueue_indirect_dma source(%dma_start3A_378 : memref<1000000x64xf32, #tpu.memory_space<hbm>>) target(%dma_start3A_372 : memref<32x64xf32, #tpu.memory_space<vmem>>) offsets(%dma_start3A_375 : memref<32xi32, #tpu.memory_space<vmem>>) semaphore(%arg13 : memref<!tpu.dma_semaphore, #tpu.memory_space<semaphore_mem>>)
      } else {
      }
      %dma_wait3A_297 = arith.constant 0 : i32
      %dma_wait3A_298 = arith.constant 0 : i32
      %dma_wait3A_299 = tpu.memref_slice %arg3[%dma_wait3A_297, %dma_wait3A_298] : memref<1000000x64xf32, #tpu.memory_space<hbm>> -> memref<128x64xf32, #tpu.memory_space<hbm>>
      %dma_wait3A_300 = arith.constant 0 : i32
      %dma_wait3A_301 = arith.constant 0 : i32
      %dma_wait3A_302 = tpu.memref_slice %arg3[%dma_wait3A_300, %dma_wait3A_301] : memref<1000000x64xf32, #tpu.memory_space<hbm>> -> memref<128x64xf32, #tpu.memory_space<hbm>>
      tpu.wait_dma2 semaphore(%arg14 : memref<!tpu.dma_semaphore, #tpu.memory_space<semaphore_mem>>) src(%dma_wait3A_302 : memref<128x64xf32, #tpu.memory_space<hbm>>) dst(%arg10 : memref<128x64xf32, #tpu.memory_space<vmem>>)
      %ge3A_303 = arith.constant 2 : i32
      %ge3A_304 = arith.cmpi sge, %add3A_289, %ge3A_303 : i32
      %convert_element_type3A_305 = arith.extui %ge3A_304 : i1 to i32
      %cond3A_306 = arith.constant 0 : i32
      %cond3A_307 = arith.cmpi ne, %convert_element_type3A_305, %cond3A_306 : i32
      scf.if %cond3A_307 {
        %dma_wait3A_341 = arith.constant 0 : i32
        %dma_wait3A_342 = arith.constant 0 : i32
        %dma_wait3A_343 = arith.constant 0 : i32
        %dma_wait3A_344 = arith.constant 0 : i32
        %dma_wait3A_345 = arith.constant 0 : i32
        %dma_wait3A_346 = tpu.memref_slice %arg12[%dma_wait3A_343, %dma_wait3A_344, %dma_wait3A_345] : memref<8x8x129xf32, #tpu.memory_space<vmem>> -> memref<8x8x128xf32, #tpu.memory_space<vmem>>
        %dma_wait3A_347 = arith.constant 0 : i32
        %dma_wait3A_348 = arith.constant 0 : i32
        %dma_wait3A_349 = arith.constant 0 : i32
        %dma_wait3A_350 = tpu.memref_slice %arg5[%dma_wait3A_341, %dma_wait3A_347, %dma_wait3A_342, %dma_wait3A_348, %dma_wait3A_349] : memref<200x8x32x8x128xf32, #tpu.memory_space<hbm>> -> memref<1x8x1x8x128xf32, #tpu.memory_space<hbm>>
        %dma_wait3A_351 = tpu.memref_squeeze %dma_wait3A_350 : memref<1x8x1x8x128xf32, #tpu.memory_space<hbm>> -> memref<8x8x128xf32, #tpu.memory_space<hbm>>
        %dma_wait3A_352 = arith.constant 0 : i32
        %dma_wait3A_353 = arith.constant 0 : i32
        %dma_wait3A_354 = arith.constant 0 : i32
        %dma_wait3A_355 = tpu.memref_slice %arg5[%dma_wait3A_341, %dma_wait3A_352, %dma_wait3A_342, %dma_wait3A_353, %dma_wait3A_354] : memref<200x8x32x8x128xf32, #tpu.memory_space<hbm>> -> memref<1x8x1x8x128xf32, #tpu.memory_space<hbm>>
        %dma_wait3A_356 = tpu.memref_squeeze %dma_wait3A_355 : memref<1x8x1x8x128xf32, #tpu.memory_space<hbm>> -> memref<8x8x128xf32, #tpu.memory_space<hbm>>
        %dma_wait3A_357 = arith.constant 0 : i32
        %dma_wait3A_358 = arith.constant 0 : i32
        %dma_wait3A_359 = arith.constant 0 : i32
        %dma_wait3A_360 = tpu.memref_slice %arg12[%dma_wait3A_357, %dma_wait3A_358, %dma_wait3A_359] : memref<8x8x129xf32, #tpu.memory_space<vmem>> -> memref<8x8x128xf32, #tpu.memory_space<vmem>>
        tpu.wait_dma2 semaphore(%arg16 : memref<!tpu.dma_semaphore, #tpu.memory_space<semaphore_mem>>) src(%dma_wait3A_360 : memref<8x8x128xf32, #tpu.memory_space<vmem>>) dst(%dma_wait3A_356 : memref<8x8x128xf32, #tpu.memory_space<hbm>>)
      } else {
      }
      %get3A_308 = arith.index_cast %add3A_289 : i32 to index
      %get3A_309 = arith.constant 0 : index
      %get3A_310 = tpu.vector_load %arg8[%get3A_308, %get3A_309] {strides = array<i32>} : memref<200x64xf32, #tpu.memory_space<vmem>>, vector<16xf32>,
      %get3A_311 = arith.index_cast %add3A_289 : i32 to index
      %get3A_312 = arith.constant 16 : index
      %get3A_313 = tpu.vector_load %arg8[%get3A_311, %get3A_312] {strides = array<i32>} : memref<200x64xf32, #tpu.memory_space<vmem>>, vector<16xf32>,
      %get3A_314 = arith.index_cast %add3A_289 : i32 to index
      %get3A_315 = arith.constant 32 : index
      %get3A_316 = tpu.vector_load %arg8[%get3A_314, %get3A_315] {strides = array<i32>} : memref<200x64xf32, #tpu.memory_space<vmem>>, vector<16xf32>,
      %get3A_317 = arith.index_cast %add3A_289 : i32 to index
      %get3A_318 = arith.constant 48 : index
      %get3A_319 = tpu.vector_load %arg8[%get3A_317, %get3A_318] {strides = array<i32>} : memref<200x64xf32, #tpu.memory_space<vmem>>, vector<16xf32>,
      %parallel_loop3A_320 = arith.constant 0 : i32
      %parallel_loop3A_321 = arith.constant 128 : i32
      %parallel_loop3A_322 = arith.constant 1 : i32
      scf.for %parallel_loop3A_341 = %parallel_loop3A_320 to %parallel_loop3A_321 step %parallel_loop3A_322  : i32 {
        %parallel_loop3A_342 = vector.broadcast %parallel_loop3A_341 : i32 to vector<16xi32>
        %parallel_loop3A_343 = arith.index_cast %parallel_loop3A_341 : i32 to index
        %parallel_loop3A_344 = arith.constant 0 : index
        %parallel_loop3A_345 = tpu.vector_load %arg10[%parallel_loop3A_343, %parallel_loop3A_344] {strides = array<i32>} : memref<128x64xf32, #tpu.memory_space<vmem>>, vector<16xf32>,
        %parallel_loop3A_346 = arith.addf %parallel_loop3A_345, %get3A_310 : vector<16xf32>
        tpu.vector_store_idx %arg12[%add3A_69, %select_n3A_191, %parallel_loop3A_342], %parallel_loop3A_346 : memref<8x8x129xf32, #tpu.memory_space<vmem>>[vector<16xi32>, vector<16xi32>, vector<16xi32>], vector<16xf32>,
        %parallel_loop3A_347 = arith.index_cast %parallel_loop3A_341 : i32 to index
        %parallel_loop3A_348 = arith.constant 16 : index
        %parallel_loop3A_349 = tpu.vector_load %arg10[%parallel_loop3A_347, %parallel_loop3A_348] {strides = array<i32>} : memref<128x64xf32, #tpu.memory_space<vmem>>, vector<16xf32>,
        %parallel_loop3A_350 = arith.addf %parallel_loop3A_349, %get3A_313 : vector<16xf32>
        tpu.vector_store_idx %arg12[%add3A_103, %select_n3A_191, %parallel_loop3A_342], %parallel_loop3A_350 : memref<8x8x129xf32, #tpu.memory_space<vmem>>[vector<16xi32>, vector<16xi32>, vector<16xi32>], vector<16xf32>,
        %parallel_loop3A_351 = arith.index_cast %parallel_loop3A_341 : i32 to index
        %parallel_loop3A_352 = arith.constant 32 : index
        %parallel_loop3A_353 = tpu.vector_load %arg10[%parallel_loop3A_351, %parallel_loop3A_352] {strides = array<i32>} : memref<128x64xf32, #tpu.memory_space<vmem>>, vector<16xf32>,
        %parallel_loop3A_354 = arith.addf %parallel_loop3A_353, %get3A_316 : vector<16xf32>
        tpu.vector_store_idx %arg12[%add3A_137, %select_n3A_191, %parallel_loop3A_342], %parallel_loop3A_354 : memref<8x8x129xf32, #tpu.memory_space<vmem>>[vector<16xi32>, vector<16xi32>, vector<16xi32>], vector<16xf32>,
        %parallel_loop3A_355 = arith.index_cast %parallel_loop3A_341 : i32 to index
        %parallel_loop3A_356 = arith.constant 48 : index
        %parallel_loop3A_357 = tpu.vector_load %arg10[%parallel_loop3A_355, %parallel_loop3A_356] {strides = array<i32>} : memref<128x64xf32, #tpu.memory_space<vmem>>, vector<16xf32>,
        %parallel_loop3A_358 = arith.addf %parallel_loop3A_357, %get3A_319 : vector<16xf32>
        tpu.vector_store_idx %arg12[%add3A_171, %select_n3A_191, %parallel_loop3A_342], %parallel_loop3A_358 : memref<8x8x129xf32, #tpu.memory_space<vmem>>[vector<16xi32>, vector<16xi32>, vector<16xi32>], vector<16xf32>,
      } {sc.loop_unroll_factor = 4 : i64, sc.parallel_access}
      %dma_start3A_323 = arith.constant 0 : i32
      %dma_start3A_324 = arith.constant 0 : i32
      %dma_start3A_325 = arith.constant 0 : i32
      %dma_start3A_326 = tpu.memref_slice %arg12[%dma_start3A_323, %dma_start3A_324, %dma_start3A_325] : memref<8x8x129xf32, #tpu.memory_space<vmem>> -> memref<8x8x128xf32, #tpu.memory_space<vmem>>
      %dma_start3A_327 = arith.constant 0 : i32
      %dma_start3A_328 = arith.constant 0 : i32
      %dma_start3A_329 = arith.constant 0 : i32
      %dma_start3A_330 = tpu.memref_slice %arg5[%add3A_289, %dma_start3A_327, %add3A, %dma_start3A_328, %dma_start3A_329] : memref<200x8x32x8x128xf32, #tpu.memory_space<hbm>> -> memref<1x8x1x8x128xf32, #tpu.memory_space<hbm>>
      %dma_start3A_331 = tpu.memref_squeeze %dma_start3A_330 : memref<1x8x1x8x128xf32, #tpu.memory_space<hbm>> -> memref<8x8x128xf32, #tpu.memory_space<hbm>>
      %dma_start3A_332 = arith.constant 0 : i32
      %dma_start3A_333 = arith.constant 0 : i32
      %dma_start3A_334 = arith.constant 0 : i32
      %dma_start3A_335 = tpu.memref_slice %arg5[%add3A_289, %dma_start3A_332, %add3A, %dma_start3A_333, %dma_start3A_334] : memref<200x8x32x8x128xf32, #tpu.memory_space<hbm>> -> memref<1x8x1x8x128xf32, #tpu.memory_space<hbm>>
      %dma_start3A_336 = tpu.memref_squeeze %dma_start3A_335 : memref<1x8x1x8x128xf32, #tpu.memory_space<hbm>> -> memref<8x8x128xf32, #tpu.memory_space<hbm>>
      %dma_start3A_337 = arith.constant 0 : i32
      %dma_start3A_338 = arith.constant 0 : i32
      %dma_start3A_339 = arith.constant 0 : i32
      %dma_start3A_340 = tpu.memref_slice %arg12[%dma_start3A_337, %dma_start3A_338, %dma_start3A_339] : memref<8x8x129xf32, #tpu.memory_space<vmem>> -> memref<8x8x128xf32, #tpu.memory_space<vmem>>
      tpu.enqueue_dma source(%dma_start3A_340 : memref<8x8x128xf32, #tpu.memory_space<vmem>>) target(%dma_start3A_336 : memref<8x8x128xf32, #tpu.memory_space<hbm>>) target_semaphore(%arg16 : memref<!tpu.dma_semaphore, #tpu.memory_space<semaphore_mem>>)
    }
    %scan3A_196 = arith.constant 100 : i32
    %dma_wait3A = arith.constant 0 : i32
    %dma_wait3A_197 = arith.constant 0 : i32
    %dma_wait3A_198 = arith.constant 0 : i32
    %dma_wait3A_199 = arith.constant 0 : i32
    %dma_wait3A_200 = arith.constant 0 : i32
    %dma_wait3A_201 = tpu.memref_slice %arg11[%dma_wait3A_198, %dma_wait3A_199, %dma_wait3A_200] : memref<8x8x129xf32, #tpu.memory_space<vmem>> -> memref<8x8x128xf32, #tpu.memory_space<vmem>>
    %dma_wait3A_202 = arith.constant 0 : i32
    %dma_wait3A_203 = arith.constant 0 : i32
    %dma_wait3A_204 = arith.constant 0 : i32
    %dma_wait3A_205 = tpu.memref_slice %arg5[%dma_wait3A, %dma_wait3A_202, %dma_wait3A_197, %dma_wait3A_203, %dma_wait3A_204] : memref<200x8x32x8x128xf32, #tpu.memory_space<hbm>> -> memref<1x8x1x8x128xf32, #tpu.memory_space<hbm>>
    %dma_wait3A_206 = tpu.memref_squeeze %dma_wait3A_205 : memref<1x8x1x8x128xf32, #tpu.memory_space<hbm>> -> memref<8x8x128xf32, #tpu.memory_space<hbm>>
    %dma_wait3A_207 = arith.constant 0 : i32
    %dma_wait3A_208 = arith.constant 0 : i32
    %dma_wait3A_209 = arith.constant 0 : i32
    %dma_wait3A_210 = tpu.memref_slice %arg5[%dma_wait3A, %dma_wait3A_207, %dma_wait3A_197, %dma_wait3A_208, %dma_wait3A_209] : memref<200x8x32x8x128xf32, #tpu.memory_space<hbm>> -> memref<1x8x1x8x128xf32, #tpu.memory_space<hbm>>
    %dma_wait3A_211 = tpu.memref_squeeze %dma_wait3A_210 : memref<1x8x1x8x128xf32, #tpu.memory_space<hbm>> -> memref<8x8x128xf32, #tpu.memory_space<hbm>>
    %dma_wait3A_212 = arith.constant 0 : i32
    %dma_wait3A_213 = arith.constant 0 : i32
    %dma_wait3A_214 = arith.constant 0 : i32
    %dma_wait3A_215 = tpu.memref_slice %arg11[%dma_wait3A_212, %dma_wait3A_213, %dma_wait3A_214] : memref<8x8x129xf32, #tpu.memory_space<vmem>> -> memref<8x8x128xf32, #tpu.memory_space<vmem>>
    tpu.wait_dma2 semaphore(%arg15 : memref<!tpu.dma_semaphore, #tpu.memory_space<semaphore_mem>>) src(%dma_wait3A_215 : memref<8x8x128xf32, #tpu.memory_space<vmem>>) dst(%dma_wait3A_211 : memref<8x8x128xf32, #tpu.memory_space<hbm>>)
    %dma_wait3A_216 = arith.constant 0 : i32
    %dma_wait3A_217 = arith.constant 0 : i32
    %dma_wait3A_218 = arith.constant 0 : i32
    %dma_wait3A_219 = arith.constant 0 : i32
    %dma_wait3A_220 = arith.constant 0 : i32
    %dma_wait3A_221 = tpu.memref_slice %arg12[%dma_wait3A_218, %dma_wait3A_219, %dma_wait3A_220] : memref<8x8x129xf32, #tpu.memory_space<vmem>> -> memref<8x8x128xf32, #tpu.memory_space<vmem>>
    %dma_wait3A_222 = arith.constant 0 : i32
    %dma_wait3A_223 = arith.constant 0 : i32
    %dma_wait3A_224 = arith.constant 0 : i32
    %dma_wait3A_225 = tpu.memref_slice %arg5[%dma_wait3A_216, %dma_wait3A_222, %dma_wait3A_217, %dma_wait3A_223, %dma_wait3A_224] : memref<200x8x32x8x128xf32, #tpu.memory_space<hbm>> -> memref<1x8x1x8x128xf32, #tpu.memory_space<hbm>>
    %dma_wait3A_226 = tpu.memref_squeeze %dma_wait3A_225 : memref<1x8x1x8x128xf32, #tpu.memory_space<hbm>> -> memref<8x8x128xf32, #tpu.memory_space<hbm>>
    %dma_wait3A_227 = arith.constant 0 : i32
    %dma_wait3A_228 = arith.constant 0 : i32
    %dma_wait3A_229 = arith.constant 0 : i32
    %dma_wait3A_230 = tpu.memref_slice %arg5[%dma_wait3A_216, %dma_wait3A_227, %dma_wait3A_217, %dma_wait3A_228, %dma_wait3A_229] : memref<200x8x32x8x128xf32, #tpu.memory_space<hbm>> -> memref<1x8x1x8x128xf32, #tpu.memory_space<hbm>>
    %dma_wait3A_231 = tpu.memref_squeeze %dma_wait3A_230 : memref<1x8x1x8x128xf32, #tpu.memory_space<hbm>> -> memref<8x8x128xf32, #tpu.memory_space<hbm>>
    %dma_wait3A_232 = arith.constant 0 : i32
    %dma_wait3A_233 = arith.constant 0 : i32
    %dma_wait3A_234 = arith.constant 0 : i32
    %dma_wait3A_235 = tpu.memref_slice %arg12[%dma_wait3A_232, %dma_wait3A_233, %dma_wait3A_234] : memref<8x8x129xf32, #tpu.memory_space<vmem>> -> memref<8x8x128xf32, #tpu.memory_space<vmem>>
    tpu.wait_dma2 semaphore(%arg16 : memref<!tpu.dma_semaphore, #tpu.memory_space<semaphore_mem>>) src(%dma_wait3A_235 : memref<8x8x128xf32, #tpu.memory_space<vmem>>) dst(%dma_wait3A_231 : memref<8x8x128xf32, #tpu.memory_space<hbm>>)
    return
  }
}

</mosaic_0001>

<sc_bundles>
// kernel: kernel.3.cloned.1.call-start
scs
__scs_entry_jumppad:
0x0: {  	(pc) =	sbr.rel $0x88, $3  }
0x1: {  	(tag) =	ssettag $0x0;
	lr =	simm.s32 $0x1  }
0x2: {  	[smem:$0x3F9E] =	sst lr;
	_ =	strace $0xD0000000  }
0x3: {  	_ = 	snop  }
0x4: {  	_ = 	snop  }
0x5: {  	_ = 	snop  }
0x6: {  	_ = 	snop  }
0x7: {  	_ = 	snop  }
__scs_overlays_trampoline_lowered:
0x8: {  	[smem:$0x3FAD] =	sst s0  }
0x9: {  	[smem:$0x3FAE] =	sst s1  }
0xa: {  	[smem:$0x3FAF] =	sst s2  }
0xb: {  	[smem:$0x3FB0] =	sst s3  }
0xc: {  	[smem:$0x3FB1] =	sst s4  }
0xd: {  	[smem:$0x3FB2] =	sst s5  }
0xe: {  	[smem:$0x3FB3] =	sst s6  }
0xf: {  	[smem:$0x3FB4] =	sst s7  }
0x10: {  	[smem:$0x3FB5] =	sst s8  }
0x11: {  	[smem:$0x3FB6] =	sst s9;
	s0 =	simm.s32 @!p0 $0x0  }
0x12: {  	s1 =	sld [smem:$0x3F9C];
	s0 =	simm.s32 @p0 $0x1  }
0x13: {  	[smem:$0x3FB7] =	sst s0;
	s0 =	simm.s32 @!p1 $0x0  }
0x14: {  	s2 =	sld [smem:$0x3F9B];
	s0 =	simm.s32 @p1 $0x1  }
0x15: {  	[smem:$0x3FB8] =	sst s0;
	s0 =	simm.s32 @!p2 $0x0  }
0x16: {  	s3 =	sld [smem:$0x3FDB];
	s0 =	simm.s32 @p2 $0x1  }
0x17: {  	s4 =	simm.s32 $0x1BF5;
	[smem:$0x3FBA] =	sst s0  }
0x18: {  	s0 =	sld [smem:$0x3F9D];
	_ =	swait.ge [sflag:s4], $0x0  }
0x19: {  	s7 =	sld [smem:$0x3F9E]  }
0x1a: {  	s8 =	sadd.s32 $0xFFFFE003, lr  }
0x1b: {  	s9 =	sadd.s32 $0xFFFFFEF7, lr;
	s5 =	simm.s32 $0xFFFFFFFF;
	p2 =	slt.u32 s8, $0xFFFFF086  }
0x1c: {  	p1 =	slt.u32 s9, $0xF7A;
	s5 =	simm.s32 @!p2 $0x0  }
0x1d: {  	s5 =	simm.s32 @p1 $0x1;
	p0 =	seq.s32 s7, s2  }
0x1e: {  	s7 =	smul.u32 @!p0 $0xF7A, s2;
	p2 =	seq.s32 @!p0 s5, $0x0  }
0x1f: {  	s9 =	smul.u32 $0xF7A, s1;
	s8 =	simm.s32 @!p0 $0x1BF5;
	p2 =	por !p2, p0  }
0x20: {  	[sflag:s8] =	ssyncset.s32 @!p0 $0xFFFFF086;
	s6 =	sadd.s32 @!p0 s3, s7;
	s7 =	simm.s32 @!p0 $0x108  }
0x21: {  	s3 =	sadd.s32 s3, s9;
	s6 =	sadd.s32 @!p0 $0x88, s6;
	s7 =	simm.s32 @p2 $0x1082  }
0x22: {  	[simem:s7], [sflag:s8] =	dma.local @!p0 [hbm:s6], $0xF7A  }
0x23: {  	s9 =	sor.u32 $0xD0000000, s2;
	s6 =	simm.s32 $0x108;
	_ =	swait.ge @!p0 [sflag:s8], $0x0  }
0x24: {  	s3 =	sadd.s32 $0x88, s3;
	s6 =	simm.s32 @!p1 $0x1082;
	[sflag:s4] =	ssyncset.s32 $0xFFFFF086  }
0x25: {  	[simem:s6], [sflag:s4] =	dma.local [hbm:s3], $0xF7A  }
0x26: {  	[smem:$0x3F9E] =	sst s1;
	(tag) =	ssettag s2;
	_ =	strace s9  }
0x27: {  	s1 =	sld [smem:$0x3FAE]  }
0x28: {  	s2 =	sld [smem:$0x3FAF]  }
0x29: {  	s4 =	sld [smem:$0x3FB1]  }
0x2a: {  	p0 =	seq.s32 s5, $0x0;
	s5 =	sld [smem:$0x3FB2]  }
0x2b: {  	s6 =	sld [smem:$0x3FB3]  }
0x2c: {  	s7 =	sld [smem:$0x3FB4]  }
0x2d: {  	s3 =	simm.s32 $0x108;
	s8 =	sld [smem:$0x3FB5]  }
0x2e: {  	s3 =	simm.s32 @!p0 $0x1082;
	s9 =	sld [smem:$0x3FB6]  }
0x2f: {  	lr =	sadd.s32 s0, s3;
	s0 =	sld [smem:$0x3FAD]  }
0x30: {  	s3 =	sld [smem:$0x3FB0]  }
0x31: {  	[smem:$0x3FB9] =	sst s10  }
0x32: {  	s10 =	sld [smem:$0x3FB7];
	_ =	sdelay $0x3  }
0x33: {  	p0 =	seq.s32 s10, $0x1;
	s10 =	sld [smem:$0x3FB9];
	_ =	sdelay $0x3  }
0x34: {  	[smem:$0x3FB9] =	sst s10  }
0x35: {  	s10 =	sld [smem:$0x3FB8];
	_ =	sdelay $0x3  }
0x36: {  	p1 =	seq.s32 s10, $0x1;
	s10 =	sld [smem:$0x3FB9];
	_ =	sdelay $0x3  }
0x37: {  	[smem:$0x3FB9] =	sst s10  }
0x38: {  	s10 =	sld [smem:$0x3FBA]  }
0x39: {  	_ = 	snop;
	(pc) =	sbr.ind lr, $3  }
0x3a: {  	_ = 	snop  }
0x3b: {  	_ = 	snop  }
0x3c: {  	p2 =	seq.s32 s10, $0x1;
	s10 =	sld [smem:$0x3FB9]  }
0x3d: {  	_ =	shalt  }
0x3e: {  	_ =	shalt  }
0x3f: {  	_ =	shalt  }
0x40: {  	_ =	shalt  }
0x41: {  	_ =	shalt  }
0x42: {  	_ =	shalt  }
0x43: {  	_ =	shalt  }
0x44: {  	_ =	shalt  }
0x45: {  	_ =	shalt  }
0x46: {  	_ =	shalt  }
0x47: {  	_ =	shalt  }
0x48: {  	_ =	shalt  }
0x49: {  	_ =	shalt  }
0x4a: {  	_ =	shalt  }
0x4b: {  	_ =	shalt  }
0x4c: {  	_ =	shalt  }
0x4d: {  	_ =	shalt  }
0x4e: {  	_ =	shalt  }
0x4f: {  	_ =	shalt  }
0x50: {  	_ =	shalt  }
0x51: {  	_ =	shalt  }
0x52: {  	_ =	shalt  }
0x53: {  	_ =	shalt  }
0x54: {  	_ =	shalt  }
0x55: {  	_ =	shalt  }
0x56: {  	_ =	shalt  }
0x57: {  	_ =	shalt  }
0x58: {  	_ =	shalt  }
0x59: {  	_ =	shalt  }
0x5a: {  	_ =	shalt  }
0x5b: {  	_ =	shalt  }
0x5c: {  	_ =	shalt  }
0x5d: {  	_ =	shalt  }
0x5e: {  	_ =	shalt  }
0x5f: {  	_ =	shalt  }
0x60: {  	_ =	shalt  }
0x61: {  	_ =	shalt  }
0x62: {  	_ =	shalt  }
0x63: {  	_ =	shalt  }
0x64: {  	_ =	shalt  }
0x65: {  	_ =	shalt  }
0x66: {  	_ =	shalt  }
0x67: {  	_ =	shalt  }
0x68: {  	_ =	shalt  }
0x69: {  	_ =	shalt  }
0x6a: {  	_ =	shalt  }
0x6b: {  	_ =	shalt  }
0x6c: {  	_ =	shalt  }
0x6d: {  	_ =	shalt  }
0x6e: {  	_ =	shalt  }
0x6f: {  	_ =	shalt  }
0x70: {  	_ =	shalt  }
0x71: {  	_ =	shalt  }
0x72: {  	_ =	shalt  }
0x73: {  	_ =	shalt  }
0x74: {  	_ =	shalt  }
0x75: {  	_ =	shalt  }
0x76: {  	_ =	shalt  }
0x77: {  	_ =	shalt  }
0x78: {  	_ =	shalt  }
0x79: {  	_ =	shalt  }
0x7a: {  	_ =	shalt  }
0x7b: {  	_ =	shalt  }
0x7c: {  	_ =	shalt  }
0x7d: {  	_ =	shalt  }
0x7e: {  	_ =	shalt  }
0x7f: {  	_ =	shalt  }
0x80: {  	_ =	shalt  }
0x81: {  	_ =	shalt  }
0x82: {  	_ =	shalt  }
0x83: {  	_ =	shalt  }
0x84: {  	_ =	shalt  }
0x85: {  	_ =	shalt  }
0x86: {  	_ =	shalt  }
0x87: {  	_ =	shalt  }
.Lfunc_end0:
.L_simem_size_0:
called_computation_lowered:
.L_overlay_start_0:
0x88: {  	s2 =	sld [smem:$0x3FD9]  }
0x89: {  	s3 =	sld [smem:$0x3FFE];
	_ =	sdelay $0x1  }
0x8a: {  	s1 =	srdreg.scid  }
0x8b: {  	s0 =	sand.u32 $0x1, s1  }
0x8c: {  	s17 =	sshll.u32 s0, $0xA;
	s2 =	sadd.s32 s3, s2  }
0x8d: {  	s2 =	sadd.s32 s2, s17  }
0x8e: {  	[smem:$0x3FC5] =	sst s2  }
0x8f: {  	_ = 	snop  }
0x90: {  	s2 =	sld [smem:$0x3FD0];
	(tm) =	ssettm $0x1  }
0x91: {  	s18 =	sld [smem:$0x3FFB];
	_ =	sdelay $0x3  }
0x92: {  	_ =	strace s18  }
0x93: {  	s3 =	sld [smem:$0x3FFC];
	_ =	sdelay $0x3  }
0x94: {  	_ =	strace s3  }
0x95: {  	s3 =	sld [smem:$0x3FFD];
	_ =	sdelay $0x3  }
0x96: {  	_ =	strace s3  }
0x97: {  	_ =	strace $0x8FFFFFFF  }
0x98: {  	s19 =	sld [smem:$0x3FDB];
	_ =	sdelay $0x1  }
0x99: {  	s4 =	simm.s32 $_scs_section_size  }
0x9a: {  	s5 =	simm.s32 $_size__tile_overlayer_lowered;
	s6 =	simm.s32 $_tile_overlayer_lowered  }
0x9b: {  	s22 =	simm.s32 $0x1BFF;
	s21 =	sshll.u32 s6, $0x1;
	s3 =	sadd.s32 s4, s19  }
0x9c: {  	s7 =	simm.s32 $0x0;
	s20 =	sshll.u32 s5, $0x1;
	s5 =	sadd.s32 s21, s3  }
0x9d: {  	[timem:s7], [sflag:s22] =	dma.local [hbm:s5], s20  }
0x9e: {  	_ =	swait.ge [sflag:s22], s20  }
0x9f: {  	s4 =	ssub.s32 $0x0, s20;
	[sflag:s22] =	ssyncset.done $0x0  }
0xa0: {  	[sflag:s22] =	ssyncadd.s32 s4;
	_ =	sdelay $0x1  }
0xa1: {  	s23 =	simm.s32 $0x1B8B  }
0xa2: {  	_ =	swait.ge [sflag:s23], $0x1  }
0xa3: {  	[sflag:s23] =	ssyncset.done $0x0  }
0xa4: {  	s25 =	simm.s32 $0x1B8E;
	s24 =	sld [smem:$0x3FFE];
	[sflag:s23] =	ssyncadd.s32 $0xFFFFFFFF  }
0xa5: {  	s26 =	simm.s32 $execute0_lowered;
	[smem:$0x3FD2] =	sst s25  }
0xa6: {  	s5 =	sshll.u32 s26, $0x1;
	_ =	strace $0x80000046;
	[dreg:$0x1] =	wrdreg $0xFFFFFFFF  }
0xa7: {  	s28 =	simm.s32 $_size_execute0_lowered;
	s3 =	sadd.s32 s3, s5;
	[dreg:$0x0] =	wrdreg $0x0  }
0xa8: {  	s5 =	sshll.u32 s28, $0x1;
	[dreg:$0x2] =	wrdreg s3  }
0xa9: {  	[dreg:$0x3] =	wrdreg s5  }
0xaa: {  	[dreg:$0x4] =	wrdreg $0xC0  }
0xab: {  	_ =	task [dreg:s7], $0x5FFFF  }
0xac: {  	[dreg:$0x1] =	wrdreg $0xFFFFFFFF  }
0xad: {  	[dreg:$0x0] =	wrdreg $0x60  }
0xae: {  	[dreg:$0x2] =	wrdreg s24  }
0xaf: {  	[dreg:$0x3] =	wrdreg s2  }
0xb0: {  	[dreg:$0x4] =	wrdreg $0x9  }
0xb1: {  	_ =	task.clear_ibuf [dreg:s7], $0x5FFFF;
	_ =	strace $0x90000046  }
0xb2: {  	s29 =	simm.s32 $0x9;
	_ =	strace $0x80000048  }
0xb3: {  	_ =	swait.ge [sflag:s29], $0x1  }
0xb4: {  	[sflag:s29] =	ssyncadd.s32 $0xFFFFFFFF  }
0xb5: {  	_ =	strace $0x90000048  }
0xb6: {  	_ =	sfence  }
0xb7: {  	s30 =	sld [smem:$0x0];
	_ =	sdelay $0x2  }
0xb8: {  	s31 =	sshll.u32 s1, $0xD;
	s1 =	sshrl.u32 s1, $0x2  }
0xb9: {  	s3 =	sand.u32 $0x4000, s31;
	s1 =	sadd.s32 s1, s30  }
0xba: {  	s0 =	sor.u32 s3, s0;
	s1 =	sshll.u32 s1, $0x11  }
0xbb: {  	s0 =	sor.u32 s1, s0  }
0xbc: {  	s0 =	sadd.s32 $0x8F2B, s0  }
0xbd: {  	[sflag:s0] =	ssyncadd.remote.s32 $0x1  }
0xbe: {  	_ =	sfence.sel $0xFFFF  }
0xbf: {  	[dreg:$0x0] =	wrdreg $0xFFFFFFFF;
	(pc) =	sbr.abs _section_cstart, $3  }
0xc0: {  	[dreg:$0x1] =	wrdreg $0xFFFFFFFF  }
0xc1: {  	_ =	task.clear_ibuf [dreg:s7], $0x2FFFF;
	_ =	strace $0x9FFFFFFF  }
0xc2: {  	(tm) =	ssettm $0x7FFFFFFF  }
0xc3: {  	_ =	shalt  }
tec
execute0_lowered:
.L_overlay_start_1:
0x0: {  	(tag) =	ssettag $0x1  }
0x1: {  	s0 =	rddreg [dreg:$0x0];
	s1 =	srdreg.scid  }
0x2: {  	s3 =	stileid.u32;
	s2 =	rddreg [dreg:$0x1];
	s9 =	simm.s32 $0x5  }
0x3: {  	s11 =	simm.s32 $0x6400;
	s12 =	simm.s32 $0x20;
	s13 =	simm.s32 $0xFA00  }
0x4: {  	s15 =	simm.s32 $0x10200;
	s17 =	simm.s32 $0x10A00;
	s19 =	simm.s32 $0x11200  }
0x5: {  	s20 =	simm.s32 $0x11A00;
	s21 =	simm.s32 $0x12200;
	s22 =	simm.s32 $0x12A00  }
0x6: {  	s23 =	simm.s32 $0x13200;
	s24 =	simm.s32 $0x1;
	s28 =	simm.s32 $0x4  }
0x7: {  	v11 =	vlaneseq.u32;
	s29 =	simm.s32 $0x15C00;
	s1 =	sand.u32 $0x1, s1;
	s4 =	sshll.u32 s3, $0x1  }
0x8: {  	s30 =	simm.s32 $0x3;
	s3 =	simm.s32 $0x0;
	v0 =	vmul.u32 $0x80, v11;
	s5 =	sor.u32 s1, s4  }
0x9: {  	vm0 =	vcmask $0x3F20;
	v11 =	vmul.u32 $0x88, v11;
	[smem:$0x7FF] =	sst s3;
	s1 =	ssub.s32 $0x2, s1;
	s4 =	smul.u32 $0xC80, s5  }
0xa: {  	s31 =	simm.s32 $0x0;
	_ =	strace $0x80000047;
	s7 =	sshrl.u32 s1, $0x1;
	v1 =	vor.u32 $0x800, v0;
	v2 =	vor.u32 $0x1000, v0;
	v3 =	vor.u32 $0x1800, v0  }
0xb: {  	v4 =	vor.u32 $0x2000, v0;
	v5 =	vor.u32 $0x2800, v0;
	v6 =	vor.u32 $0x3000, v0;
	s6 =	sadd.s32 s4, s0;
	s4 =	sadd.s32 $0xF42C00, s0;
	s0 =	sadd.s32 $0x19800, s0  }
0xc: {  	v7 =	vor.u32 $0x3800, v0;
	v8 =	vor.u32 $0x4000, v0;
	v9 =	vor.u32 $0x4800, v0;
	s25 =	ssub.s32 s1, s7;
	[dreg:$0x3] =	wrdreg s0;
	s26 =	sadd.s32 $0x800, s6  }
0xd: {  	v10 =	vor.u32 $0x5000, v0;
	v12 =	vor.u32 $0x5800, v0;
	v13 =	vadd.s32 $0x5C00, v0;
	s7 =	sshll.u32 s5, $0xA;
	s0 =	smax.u32 s25, $0x1;
	[dreg:$0x4] =	wrdreg s26  }
0xe: {  	v14 =	vadd.s32 $0x880, v11;
	v15 =	vadd.s32 $0x1100, v11;
	v16 =	vadd.s32 $0x1980, v11;
	s25 =	simm.s32 $0x13A00;
	[dreg:$0x5] =	wrdreg s0;
	s26 =	simm.s32 $0x2  }
.LBB2_1:
0xf: {  	s0 =	rddreg [dreg:$0x4]  }
0x10: {  	[tilespmem:s3], [sflag:$0x5] =	stream.linear.gather [hbm4b:s0+s3], $0x6400, $0x38;
	[tilespmem:$0x17E00] =	vst v63  }
0x11: {  	_ =	swait.ge [sflag:s9], $0x6400  }
0x12: {  	s6 =	simm.s32 $0x1;
	[sflag:s9] =	ssyncset.done $0x0  }
0x13: {  	s5 =	simm.s32 $0xC800;
	s1 =	rddreg [dreg:$0x3];
	[sflag:s9] =	ssyncadd.s32 $0xFFFF9C00  }
0x14: {  	v17 =	vmov s6;
	[tilespmem:s5], [sflag:$0x5] =	stream.linear.gather [hbm4b:s1+s3], $0x3200, $0x38;
	[tilespmem:$0x17E00] =	vst v63  }
0x15: {  	v18 =	vmov s3;
	v17 =	vand.u32 $0x7F, v17;
	_ =	swait.ge [sflag:s9], $0x3200  }
0x16: {  	v18 =	vand.u32 $0x7E, v18;
	v22 =	vbroadcast v17, $0x0;
	[sflag:s9] =	ssyncset.done $0x0  }
0x17: {  	s10 =	simm.s32 $0xC8;
	v21 =	vbroadcast v18, $0x0;
	[sflag:s9] =	ssyncadd.s32 $0xFFFFCE00  }
0x18: {  	v18 =	vor.u32 v0, v22;
	v17 =	vld [tilespmem:s10+$0x0]  }
0x19: {  	v20 =	vor.u32 v0, v21;
	v19 =	vld [tilespmem:s10+$0xFFFFFF38];
	_ =	sdelay $0x3  }
0x1a: {  	[tilespmem:v18+s11+$0x0] =	vst.idx.msk $0xffff, v17  }
0x1b: {  	[tilespmem:v20+s11+$0x0] =	vst.idx.msk $0xffff, v19;
	v18 =	vor.u32 v1, v22;
	v17 =	vld [tilespmem:s10+$0x10]  }
0x1c: {  	v20 =	vor.u32 v1, v21;
	v19 =	vld [tilespmem:s10+$0xFFFFFF48];
	_ =	sdelay $0x3  }
0x1d: {  	[tilespmem:v18+s11+$0x0] =	vst.idx.msk $0xffff, v17  }
0x1e: {  	[tilespmem:v20+s11+$0x0] =	vst.idx.msk $0xffff, v19;
	v18 =	vor.u32 v2, v22;
	v17 =	vld [tilespmem:s10+$0x20]  }
0x1f: {  	v20 =	vor.u32 v2, v21;
	v19 =	vld [tilespmem:s10+$0xFFFFFF58];
	_ =	sdelay $0x3  }
0x20: {  	[tilespmem:v18+s11+$0x0] =	vst.idx.msk $0xffff, v17  }
0x21: {  	[tilespmem:v20+s11+$0x0] =	vst.idx.msk $0xffff, v19;
	v18 =	vor.u32 v3, v22;
	v17 =	vld [tilespmem:s10+$0x30]  }
0x22: {  	v20 =	vor.u32 v3, v21;
	v19 =	vld [tilespmem:s10+$0xFFFFFF68];
	_ =	sdelay $0x1  }
0x23: {  	s8 =	simm.s32 $0x3  }
0x24: {  	s14 =	simm.s32 $0x2;
	v23 =	vmov s8  }
0x25: {  	v24 =	vmov s14;
	v23 =	vand.u32 $0x7F, v23;
	[tilespmem:v18+s11+$0x0] =	vst.idx.msk $0xffff, v17  }
0x26: {  	v18 =	vand.u32 $0x7E, v24;
	v17 =	vbroadcast v23, $0x0;
	[tilespmem:v20+s11+$0x0] =	vst.idx.msk $0xffff, v19;
	v20 =	vor.u32 v4, v22;
	v19 =	vld [tilespmem:s10+$0x40]  }
0x27: {  	s0 =	simm.s32 $0x258;
	v24 =	vor.u32 v4, v21;
	v18 =	vbroadcast v18, $0x0;
	v23 =	vld [tilespmem:s10+$0xFFFFFF78]  }
0x28: {  	v25 =	vld [tilespmem:s0+$0x0];
	v26 =	vor.u32 v0, v17  }
0x29: {  	v27 =	vld [tilespmem:s0+$0xFFFFFF38];
	v28 =	vor.u32 v0, v18;
	_ =	sdelay $0x1  }
0x2a: {  	[tilespmem:v20+s11+$0x0] =	vst.idx.msk $0xffff, v19  }
0x2b: {  	[tilespmem:v24+s11+$0x0] =	vst.idx.msk $0xffff, v23;
	v20 =	vor.u32 v5, v22;
	v19 =	vld [tilespmem:s10+$0x50]  }
0x2c: {  	v24 =	vor.u32 v5, v21;
	[tilespmem:v26+s11+$0x0] =	vst.idx.msk $0xffff, v25;
	v23 =	vld [tilespmem:s10+$0xFFFFFF88]  }
0x2d: {  	v26 =	vor.u32 v1, v17;
	[tilespmem:v28+s11+$0x0] =	vst.idx.msk $0xffff, v27;
	v25 =	vld [tilespmem:s0+$0x10]  }
0x2e: {  	v28 =	vor.u32 v1, v18;
	v27 =	vld [tilespmem:s0+$0xFFFFFF48];
	_ =	sdelay $0x1  }
0x2f: {  	[tilespmem:v20+s11+$0x0] =	vst.idx.msk $0xffff, v19  }
0x30: {  	[tilespmem:v24+s11+$0x0] =	vst.idx.msk $0xffff, v23;
	v20 =	vor.u32 v6, v22;
	v19 =	vld [tilespmem:s10+$0x60]  }
0x31: {  	v24 =	vor.u32 v6, v21;
	[tilespmem:v26+s11+$0x0] =	vst.idx.msk $0xffff, v25;
	v23 =	vld [tilespmem:s10+$0xFFFFFF98]  }
0x32: {  	v26 =	vor.u32 v2, v17;
	[tilespmem:v28+s11+$0x0] =	vst.idx.msk $0xffff, v27;
	v25 =	vld [tilespmem:s0+$0x20]  }
0x33: {  	v28 =	vor.u32 v2, v18;
	v27 =	vld [tilespmem:s0+$0xFFFFFF58];
	_ =	sdelay $0x1  }
0x34: {  	[tilespmem:v20+s11+$0x0] =	vst.idx.msk $0xffff, v19  }
0x35: {  	[tilespmem:v24+s11+$0x0] =	vst.idx.msk $0xffff, v23;
	v20 =	vor.u32 v7, v22;
	v19 =	vld [tilespmem:s10+$0x70]  }
0x36: {  	v24 =	vor.u32 v7, v21;
	[tilespmem:v26+s11+$0x0] =	vst.idx.msk $0xffff, v25;
	v23 =	vld [tilespmem:s10+$0xFFFFFFA8]  }
0x37: {  	v26 =	vor.u32 v3, v17;
	[tilespmem:v28+s11+$0x0] =	vst.idx.msk $0xffff, v27;
	v25 =	vld [tilespmem:s0+$0x30]  }
0x38: {  	v28 =	vor.u32 v3, v18;
	v27 =	vld [tilespmem:s0+$0xFFFFFF68];
	_ =	sdelay $0x1  }
0x39: {  	s16 =	simm.s32 $0x5;
	[tilespmem:v20+s11+$0x0] =	vst.idx.msk $0xffff, v19  }
0x3a: {  	s18 =	simm.s32 $0x4;
	v19 =	vmov s16;
	[tilespmem:v24+s11+$0x0] =	vst.idx.msk $0xffff, v23;
	v24 =	vor.u32 v8, v22;
	v23 =	vld [tilespmem:s10+$0x80]  }
0x3b: {  	v20 =	vmov s18;
	v19 =	vand.u32 $0x7F, v19;
	[tilespmem:v26+s11+$0x0] =	vst.idx.msk $0xffff, v25;
	v25 =	vld [tilespmem:s10+$0xFFFFFFB8];
	v26 =	vor.u32 v8, v21  }
0x3c: {  	v20 =	vand.u32 $0x7E, v20;
	v19 =	vbroadcast v19, $0x0;
	[tilespmem:v28+s11+$0x0] =	vst.idx.msk $0xffff, v27;
	v27 =	vld [tilespmem:s0+$0x40];
	v28 =	vor.u32 v4, v17  }
0x3d: {  	s1 =	simm.s32 $0x3E8;
	v30 =	vor.u32 v4, v18;
	v20 =	vbroadcast v20, $0x0;
	v29 =	vld [tilespmem:s0+$0xFFFFFF78]  }
0x3e: {  	v31 =	vld [tilespmem:s1+$0x0];
	v32 =	vor.u32 v0, v19  }
0x3f: {  	v33 =	vld [tilespmem:s1+$0xFFFFFF38];
	v34 =	vor.u32 v0, v20;
	[tilespmem:v24+s11+$0x0] =	vst.idx.msk $0xffff, v23  }
0x40: {  	[tilespmem:v26+s11+$0x0] =	vst.idx.msk $0xffff, v25;
	v24 =	vor.u32 v9, v22;
	v23 =	vld [tilespmem:s10+$0x90]  }
0x41: {  	v26 =	vor.u32 v9, v21;
	[tilespmem:v28+s11+$0x0] =	vst.idx.msk $0xffff, v27;
	v25 =	vld [tilespmem:s10+$0xFFFFFFC8]  }
0x42: {  	v28 =	vor.u32 v5, v17;
	[tilespmem:v30+s11+$0x0] =	vst.idx.msk $0xffff, v29;
	v27 =	vld [tilespmem:s0+$0x50]  }
0x43: {  	v30 =	vor.u32 v5, v18;
	[tilespmem:v32+s11+$0x0] =	vst.idx.msk $0xffff, v31;
	v29 =	vld [tilespmem:s0+$0xFFFFFF88]  }
0x44: {  	v60 =	vor.u32 v1, v19;
	[tilespmem:v34+s11+$0x0] =	vst.idx.msk $0xffff, v33;
	v31 =	vld [tilespmem:s1+$0x10]  }
0x45: {  	v61 =	vor.u32 v1, v20;
	v33 =	vld [tilespmem:s1+$0xFFFFFF48];
	[tilespmem:v24+s11+$0x0] =	vst.idx.msk $0xffff, v23  }
0x46: {  	[tilespmem:v26+s11+$0x0] =	vst.idx.msk $0xffff, v25;
	v24 =	vor.u32 v10, v22;
	v23 =	vld [tilespmem:s10+$0xA0]  }
0x47: {  	v26 =	vor.u32 v10, v21;
	[tilespmem:v28+s11+$0x0] =	vst.idx.msk $0xffff, v27;
	v25 =	vld [tilespmem:s10+$0xFFFFFFD8]  }
0x48: {  	v28 =	vor.u32 v6, v17;
	[tilespmem:v30+s11+$0x0] =	vst.idx.msk $0xffff, v29;
	v27 =	vld [tilespmem:s0+$0x60]  }
0x49: {  	v30 =	vor.u32 v6, v18;
	[tilespmem:v60+s11+$0x0] =	vst.idx.msk $0xffff, v31;
	v29 =	vld [tilespmem:s0+$0xFFFFFF98]  }
0x4a: {  	v62 =	vor.u32 v2, v19;
	[tilespmem:v61+s11+$0x0] =	vst.idx.msk $0xffff, v33;
	v31 =	vld [tilespmem:s1+$0x20]  }
0x4b: {  	v63 =	vor.u32 v2, v20;
	v33 =	vld [tilespmem:s1+$0xFFFFFF58];
	[tilespmem:v24+s11+$0x0] =	vst.idx.msk $0xffff, v23  }
0x4c: {  	[tilespmem:v26+s11+$0x0] =	vst.idx.msk $0xffff, v25;
	v24 =	vor.u32 v12, v22;
	v23 =	vld [tilespmem:s10+$0xB0]  }
0x4d: {  	v26 =	vor.u32 v12, v21;
	[tilespmem:v28+s11+$0x0] =	vst.idx.msk $0xffff, v27;
	v25 =	vld [tilespmem:s10+$0xFFFFFFE8]  }
0x4e: {  	v36 =	vor.u32 v7, v17;
	[tilespmem:v30+s11+$0x0] =	vst.idx.msk $0xffff, v29;
	v35 =	vld [tilespmem:s0+$0x70]  }
0x4f: {  	v28 =	vor.u32 v7, v18;
	[tilespmem:v62+s11+$0x0] =	vst.idx.msk $0xffff, v31;
	v27 =	vld [tilespmem:s0+$0xFFFFFFA8]  }
0x50: {  	v32 =	vor.u32 v3, v19;
	[tilespmem:v63+s11+$0x0] =	vst.idx.msk $0xffff, v33;
	v30 =	vld [tilespmem:s1+$0x30]  }
0x51: {  	v31 =	vor.u32 v3, v20;
	v29 =	vld [tilespmem:s1+$0xFFFFFF68];
	[tilespmem:v24+s11+$0x0] =	vst.idx.msk $0xffff, v23  }
0x52: {  	[tilespmem:v26+s11+$0x0] =	vst.idx.msk $0xffff, v25;
	v24 =	vor.u32 v13, v22;
	v23 =	vld [tilespmem:s10+$0xB8]  }
0x53: {  	s14 =	simm.s32 $0x6;
	s5 =	simm.s32 $0x7;
	s16 =	simm.s32 $0x8;
	v26 =	vor.u32 v13, v21;
	[tilespmem:v36+s11+$0x0] =	vst.idx.msk $0xffff, v35;
	v25 =	vld [tilespmem:s10+$0xFFFFFFF0]  }
.LBB2_2:
0x54: {  	p0 =	slt.u32 s16, $0x7E;
	v21 =	vmov s5;
	[tilespmem:v28+s11+$0x0] =	vst.idx.msk $0xffff, v27;
	v22 =	vld [tilespmem:s0+$0x80];
	v27 =	vor.u32 v8, v17;
	s10 =	smov.u32 s1  }
0x55: {  	v28 =	vmov s14;
	s14 =	smov.u32 s16;
	v21 =	vand.u32 $0x7F, v21;
	[tilespmem:v32+s11+$0x0] =	vst.idx.msk $0xffff, v30;
	v30 =	vld [tilespmem:s0+$0xFFFFFFB8];
	v32 =	vor.u32 v8, v18  }
0x56: {  	v28 =	vand.u32 $0x7E, v28;
	v21 =	vbroadcast v21, $0x0;
	[tilespmem:v31+s11+$0x0] =	vst.idx.msk $0xffff, v29;
	v29 =	vld [tilespmem:s1+$0x40];
	v31 =	vor.u32 v4, v19  }
0x57: {  	v34 =	vor.u32 v4, v20;
	v33 =	vbroadcast v28, $0x0;
	s1 =	sadd.s32 $0x190, s1;
	v28 =	vld [tilespmem:s10+$0xFFFFFF78];
	[tilespmem:v24+s11+$0x0] =	vst.idx.msk vm0, v23  }
0x58: {  	v23 =	vld [tilespmem:s1+$0x0];
	v24 =	vor.u32 v0, v21;
	[tilespmem:v26+s11+$0x0] =	vst.idx.msk vm0, v25  }
0x59: {  	v26 =	vor.u32 v0, v33;
	v25 =	vld [tilespmem:s1+$0xFFFFFF38];
	[tilespmem:v27+s11+$0x0] =	vst.idx.msk $0xffff, v22  }
0x5a: {  	v27 =	vor.u32 v9, v17;
	[tilespmem:v32+s11+$0x0] =	vst.idx.msk $0xffff, v30;
	v22 =	vld [tilespmem:s0+$0x90]  }
0x5b: {  	v30 =	vor.u32 v9, v18;
	[tilespmem:v31+s11+$0x0] =	vst.idx.msk $0xffff, v29;
	v29 =	vld [tilespmem:s0+$0xFFFFFFC8]  }
0x5c: {  	v31 =	vor.u32 v5, v19;
	[tilespmem:v34+s11+$0x0] =	vst.idx.msk $0xffff, v28;
	v28 =	vld [tilespmem:s10+$0x50]  }
0x5d: {  	[tilespmem:v24+s11+$0x0] =	vst.idx.msk $0xffff, v23;
	v23 =	vld [tilespmem:s10+$0xFFFFFF88];
	v24 =	vor.u32 v5, v20  }
0x5e: {  	[tilespmem:v26+s11+$0x0] =	vst.idx.msk $0xffff, v25;
	v25 =	vld [tilespmem:s1+$0x10];
	v26 =	vor.u32 v1, v21  }
0x5f: {  	v34 =	vor.u32 v1, v33;
	v32 =	vld [tilespmem:s1+$0xFFFFFF48];
	[tilespmem:v27+s11+$0x0] =	vst.idx.msk $0xffff, v22  }
0x60: {  	v27 =	vor.u32 v10, v17;
	[tilespmem:v30+s11+$0x0] =	vst.idx.msk $0xffff, v29;
	v22 =	vld [tilespmem:s0+$0xA0]  }
0x61: {  	v29 =	vor.u32 v10, v18;
	[tilespmem:v31+s11+$0x0] =	vst.idx.msk $0xffff, v28;
	v28 =	vld [tilespmem:s0+$0xFFFFFFD8]  }
0x62: {  	[tilespmem:v24+s11+$0x0] =	vst.idx.msk $0xffff, v23;
	v23 =	vld [tilespmem:s10+$0x60];
	v24 =	vor.u32 v6, v19  }
0x63: {  	[tilespmem:v26+s11+$0x0] =	vst.idx.msk $0xffff, v25;
	v25 =	vld [tilespmem:s10+$0xFFFFFF98];
	v26 =	vor.u32 v6, v20  }
0x64: {  	v31 =	vor.u32 v2, v21;
	[tilespmem:v34+s11+$0x0] =	vst.idx.msk $0xffff, v32;
	v30 =	vld [tilespmem:s1+$0x20]  }
0x65: {  	v34 =	vor.u32 v2, v33;
	v32 =	vld [tilespmem:s1+$0xFFFFFF58];
	[tilespmem:v27+s11+$0x0] =	vst.idx.msk $0xffff, v22  }
0x66: {  	v35 =	vor.u32 v12, v17;
	[tilespmem:v29+s11+$0x0] =	vst.idx.msk $0xffff, v28;
	v22 =	vld [tilespmem:s0+$0xB0]  }
0x67: {  	[tilespmem:v24+s11+$0x0] =	vst.idx.msk $0xffff, v23;
	v23 =	vld [tilespmem:s0+$0xFFFFFFE8];
	v24 =	vor.u32 v12, v18  }
0x68: {  	[tilespmem:v26+s11+$0x0] =	vst.idx.msk $0xffff, v25;
	v25 =	vld [tilespmem:s10+$0x70];
	v26 =	vor.u32 v7, v19  }
.Ltmp0:
0x69: {  	v28 =	vor.u32 v7, v20;
	[tilespmem:v31+s11+$0x0] =	vst.idx.msk $0xffff, v30;
	v27 =	vld [tilespmem:s10+$0xFFFFFFA8];
	(pc) =	sbr.rel @p0 .LBB2_2-.Ltmp0, $4  }
0x6a: {  	[tilespmem:v34+s11+$0x0] =	vst.idx.msk $0xffff, v32;
	v30 =	vld [tilespmem:s1+$0x30];
	v32 =	vor.u32 v3, v21  }
0x6b: {  	v31 =	vor.u32 v3, v33;
	v29 =	vld [tilespmem:s1+$0xFFFFFF68];
	[tilespmem:v35+s11+$0x0] =	vst.idx.msk $0xffff, v22  }
0x6c: {  	[tilespmem:v24+s11+$0x0] =	vst.idx.msk $0xffff, v23;
	v23 =	vld [tilespmem:s0+$0xB8];
	v24 =	vor.u32 v13, v17;
	v17 =	vmov v19;
	v19 =	vmov v21  }
0x6d: {  	s16 =	sadd.s32 $0x2, s16;
	s5 =	sadd.s32 $0x1, s14;
	[tilespmem:v26+s11+$0x0] =	vst.idx.msk $0xffff, v25;
	v25 =	vld [tilespmem:s0+$0xFFFFFFF0];
	v26 =	vor.u32 v13, v18;
	v18 =	vmov v20;
	v20 =	vmov v33;
	s0 =	smov.u32 s10  }
0x6e: {  	v21 =	vmov s5  }
0x6f: {  	v22 =	vmov s14;
	v21 =	vand.u32 $0x7F, v21  }
0x70: {  	v33 =	vand.u32 $0x7E, v22;
	v22 =	vbroadcast v21, $0x0  }
0x71: {  	s10 =	sadd.s32 $0x190, s1;
	v21 =	vbroadcast v33, $0x0  }
0x72: {  	v53 =	vld [tilespmem:s10+$0x0];
	v34 =	vor.u32 v0, v22  }
0x73: {  	v35 =	vld [tilespmem:s10+$0xFFFFFF38];
	v36 =	vor.u32 v0, v21;
	_ =	sdelay $0x3  }
0x74: {  	[tilespmem:v34+s11+$0x0] =	vst.idx.msk $0xffff, v53  }
0x75: {  	v54 =	vor.u32 v1, v22;
	[tilespmem:v36+s11+$0x0] =	vst.idx.msk $0xffff, v35;
	v33 =	vld [tilespmem:s10+$0x10]  }
0x76: {  	v55 =	vor.u32 v1, v21;
	v35 =	vld [tilespmem:s10+$0xFFFFFF48];
	_ =	sdelay $0x3  }
0x77: {  	[tilespmem:v54+s11+$0x0] =	vst.idx.msk $0xffff, v33  }
0x78: {  	v56 =	vor.u32 v2, v22;
	[tilespmem:v55+s11+$0x0] =	vst.idx.msk $0xffff, v35;
	v33 =	vld [tilespmem:s10+$0x20]  }
0x79: {  	v57 =	vor.u32 v2, v21;
	v35 =	vld [tilespmem:s10+$0xFFFFFF58];
	_ =	sdelay $0x3  }
0x7a: {  	[tilespmem:v56+s11+$0x0] =	vst.idx.msk $0xffff, v33  }
0x7b: {  	v58 =	vor.u32 v3, v22;
	[tilespmem:v57+s11+$0x0] =	vst.idx.msk $0xffff, v35;
	v33 =	vld [tilespmem:s10+$0x30]  }
0x7c: {  	v59 =	vor.u32 v3, v21;
	v35 =	vld [tilespmem:s10+$0xFFFFFF68];
	_ =	sdelay $0x1  }
0x7d: {  	[tilespmem:v32+s11+$0x0] =	vst.idx.msk $0xffff, v30  }
0x7e: {  	v61 =	vor.u32 v4, v19;
	[tilespmem:v31+s11+$0x0] =	vst.idx.msk $0xffff, v29;
	v60 =	vld [tilespmem:s1+$0x40]  }
0x7f: {  	v62 =	vor.u32 v4, v20;
	v31 =	vld [tilespmem:s1+$0xFFFFFF78];
	[tilespmem:v58+s11+$0x0] =	vst.idx.msk $0xffff, v33  }
0x80: {  	v63 =	vor.u32 v4, v22;
	[tilespmem:v59+s11+$0x0] =	vst.idx.msk $0xffff, v35;
	v33 =	vld [tilespmem:s10+$0x40]  }
0x81: {  	v40 =	vor.u32 v4, v21;
	v35 =	vld [tilespmem:s10+$0xFFFFFF78];
	_ =	sdelay $0x1  }
0x82: {  	[tilespmem:v61+s11+$0x0] =	vst.idx.msk $0xffff, v60  }
0x83: {  	v41 =	vor.u32 v5, v19;
	[tilespmem:v62+s11+$0x0] =	vst.idx.msk $0xffff, v31;
	v29 =	vld [tilespmem:s1+$0x50]  }
0x84: {  	v42 =	vor.u32 v5, v20;
	v31 =	vld [tilespmem:s1+$0xFFFFFF88];
	[tilespmem:v63+s11+$0x0] =	vst.idx.msk $0xffff, v33  }
0x85: {  	v43 =	vor.u32 v5, v22;
	[tilespmem:v40+s11+$0x0] =	vst.idx.msk $0xffff, v35;
	v33 =	vld [tilespmem:s10+$0x50]  }
0x86: {  	v44 =	vor.u32 v5, v21;
	v35 =	vld [tilespmem:s10+$0xFFFFFF88];
	_ =	sdelay $0x1  }
0x87: {  	[tilespmem:v41+s11+$0x0] =	vst.idx.msk $0xffff, v29  }
0x88: {  	v45 =	vor.u32 v6, v19;
	[tilespmem:v42+s11+$0x0] =	vst.idx.msk $0xffff, v31;
	v29 =	vld [tilespmem:s1+$0x60]  }
0x89: {  	v46 =	vor.u32 v6, v20;
	v31 =	vld [tilespmem:s1+$0xFFFFFF98];
	[tilespmem:v43+s11+$0x0] =	vst.idx.msk $0xffff, v33  }
0x8a: {  	v47 =	vor.u32 v6, v22;
	[tilespmem:v44+s11+$0x0] =	vst.idx.msk $0xffff, v35;
	v33 =	vld [tilespmem:s10+$0x60]  }
0x8b: {  	v48 =	vor.u32 v6, v21;
	v35 =	vld [tilespmem:s10+$0xFFFFFF98]  }
0x8c: {  	[tilespmem:v28+s11+$0x0] =	vst.idx.msk $0xffff, v27  }
0x8d: {  	[tilespmem:v45+s11+$0x0] =	vst.idx.msk $0xffff, v29  }
0x8e: {  	v50 =	vor.u32 v7, v19;
	[tilespmem:v46+s11+$0x0] =	vst.idx.msk $0xffff, v31;
	v49 =	vld [tilespmem:s1+$0x70]  }
0x8f: {  	v52 =	vor.u32 v7, v20;
	v51 =	vld [tilespmem:s1+$0xFFFFFFA8];
	[tilespmem:v47+s11+$0x0] =	vst.idx.msk $0xffff, v33  }
0x90: {  	v54 =	vor.u32 v7, v22;
	[tilespmem:v48+s11+$0x0] =	vst.idx.msk $0xffff, v35;
	v53 =	vld [tilespmem:s10+$0x70]  }
0x91: {  	[tilespmem:v24+s11+$0x0] =	vst.idx.msk vm0, v23;
	v56 =	vor.u32 v7, v21;
	v55 =	vld [tilespmem:s10+$0xFFFFFFA8]  }
0x92: {  	[tilespmem:v26+s11+$0x0] =	vst.idx.msk vm0, v25;
	v57 =	vld [tilespmem:s0+$0x80];
	v58 =	vor.u32 v8, v17  }
0x93: {  	v60 =	vor.u32 v8, v18;
	[tilespmem:v50+s11+$0x0] =	vst.idx.msk $0xffff, v49;
	v59 =	vld [tilespmem:s0+$0xFFFFFFB8]  }
0x94: {  	v61 =	vor.u32 v8, v19;
	[tilespmem:v52+s11+$0x0] =	vst.idx.msk $0xffff, v51;
	v27 =	vld [tilespmem:s1+$0x80]  }
0x95: {  	v62 =	vor.u32 v8, v20;
	v29 =	vld [tilespmem:s1+$0xFFFFFFB8];
	[tilespmem:v54+s11+$0x0] =	vst.idx.msk $0xffff, v53  }
0x96: {  	v36 =	vor.u32 v8, v22;
	[tilespmem:v56+s11+$0x0] =	vst.idx.msk $0xffff, v55;
	v63 =	vld [tilespmem:s10+$0x80]  }
0x97: {  	v38 =	vor.u32 v8, v21;
	[tilespmem:v58+s11+$0x0] =	vst.idx.msk $0xffff, v57;
	v37 =	vld [tilespmem:s10+$0xFFFFFFB8]  }
0x98: {  	[tilespmem:v60+s11+$0x0] =	vst.idx.msk $0xffff, v59;
	v39 =	vld [tilespmem:s0+$0x90];
	v40 =	vor.u32 v9, v17  }
0x99: {  	v42 =	vor.u32 v9, v18;
	[tilespmem:v61+s11+$0x0] =	vst.idx.msk $0xffff, v27;
	v41 =	vld [tilespmem:s0+$0xFFFFFFC8]  }
0x9a: {  	[tilespmem:v62+s11+$0x0] =	vst.idx.msk $0xffff, v29;
	v27 =	vld [tilespmem:s1+$0x90];
	v43 =	vor.u32 v9, v19  }
0x9b: {  	v29 =	vld [tilespmem:s1+$0xFFFFFFC8];
	v44 =	vor.u32 v9, v20;
	[tilespmem:v36+s11+$0x0] =	vst.idx.msk $0xffff, v63  }
0x9c: {  	v45 =	vor.u32 v9, v22;
	[tilespmem:v38+s11+$0x0] =	vst.idx.msk $0xffff, v37;
	v23 =	vld [tilespmem:s10+$0x90]  }
0x9d: {  	[tilespmem:v40+s11+$0x0] =	vst.idx.msk $0xffff, v39;
	v47 =	vor.u32 v9, v21;
	v46 =	vld [tilespmem:s10+$0xFFFFFFC8]  }
0x9e: {  	v49 =	vor.u32 v10, v17;
	[tilespmem:v42+s11+$0x0] =	vst.idx.msk $0xffff, v41;
	v48 =	vld [tilespmem:s0+$0xA0]  }
0x9f: {  	v50 =	vor.u32 v10, v18;
	[tilespmem:v43+s11+$0x0] =	vst.idx.msk $0xffff, v27;
	v33 =	vld [tilespmem:s0+$0xFFFFFFD8]  }
0xa0: {  	v51 =	vor.u32 v10, v19;
	[tilespmem:v44+s11+$0x0] =	vst.idx.msk $0xffff, v29;
	v27 =	vld [tilespmem:s1+$0xA0]  }
0xa1: {  	v52 =	vor.u32 v10, v20;
	v29 =	vld [tilespmem:s1+$0xFFFFFFD8];
	[tilespmem:v45+s11+$0x0] =	vst.idx.msk $0xffff, v23  }
0xa2: {  	v53 =	vor.u32 v10, v22;
	[tilespmem:v47+s11+$0x0] =	vst.idx.msk $0xffff, v46;
	v23 =	vld [tilespmem:s10+$0xA0]  }
0xa3: {  	[tilespmem:v49+s11+$0x0] =	vst.idx.msk $0xffff, v48;
	v54 =	vor.u32 v10, v21;
	v25 =	vld [tilespmem:s10+$0xFFFFFFD8]  }
0xa4: {  	[tilespmem:v50+s11+$0x0] =	vst.idx.msk $0xffff, v33;
	v31 =	vld [tilespmem:s0+$0xB0];
	v55 =	vor.u32 v12, v17  }
0xa5: {  	[tilespmem:v51+s11+$0x0] =	vst.idx.msk $0xffff, v27;
	v33 =	vld [tilespmem:s0+$0xFFFFFFE8];
	v56 =	vor.u32 v12, v18  }
0xa6: {  	v57 =	vor.u32 v12, v19;
	[tilespmem:v52+s11+$0x0] =	vst.idx.msk $0xffff, v29;
	v27 =	vld [tilespmem:s1+$0xB0]  }
0xa7: {  	v58 =	vor.u32 v12, v20;
	v29 =	vld [tilespmem:s1+$0xFFFFFFE8];
	[tilespmem:v53+s11+$0x0] =	vst.idx.msk $0xffff, v23  }
0xa8: {  	v59 =	vor.u32 v12, v22;
	[tilespmem:v54+s11+$0x0] =	vst.idx.msk $0xffff, v25;
	v23 =	vld [tilespmem:s10+$0xB0]  }
0xa9: {  	v60 =	vor.u32 v12, v21;
	[tilespmem:v55+s11+$0x0] =	vst.idx.msk $0xffff, v31;
	v25 =	vld [tilespmem:s10+$0xFFFFFFE8]  }
0xaa: {  	v17 =	vor.u32 v13, v17;
	[tilespmem:v56+s11+$0x0] =	vst.idx.msk $0xffff, v33;
	v31 =	vld [tilespmem:s0+$0xB8]  }
0xab: {  	v18 =	vor.u32 v13, v18;
	[tilespmem:v57+s11+$0x0] =	vst.idx.msk $0xffff, v27;
	v61 =	vld [tilespmem:s0+$0xFFFFFFF0]  }
0xac: {  	v19 =	vor.u32 v13, v19;
	[tilespmem:v58+s11+$0x0] =	vst.idx.msk $0xffff, v29;
	v27 =	vld [tilespmem:s1+$0xB8]  }
0xad: {  	v62 =	vld [tilespmem:s1+$0xFFFFFFF0];
	v63 =	vor.u32 v13, v20;
	[tilespmem:v59+s11+$0x0] =	vst.idx.msk $0xffff, v23  }
0xae: {  	v22 =	vor.u32 v13, v22;
	[tilespmem:v60+s11+$0x0] =	vst.idx.msk $0xffff, v25;
	v23 =	vld [tilespmem:s10+$0xB8]  }
0xaf: {  	v21 =	vor.u32 v13, v21;
	[tilespmem:v17+s11+$0x0] =	vst.idx.msk vm0, v31;
	v17 =	vld [tilespmem:s10+$0xFFFFFFF0]  }
0xb0: {  	[tilespmem:v18+s11+$0x0] =	vst.idx.msk vm0, v61  }
0xb1: {  	[tilespmem:v19+s11+$0x0] =	vst.idx.msk vm0, v27  }
0xb2: {  	[tilespmem:v63+s11+$0x0] =	vst.idx.msk vm0, v62  }
0xb3: {  	[tilespmem:v22+s11+$0x0] =	vst.idx.msk vm0, v23  }
0xb4: {  	[tilespmem:v21+s11+$0x0] =	vst.idx.msk vm0, v17  }
0xb5: {  	[tilespmem:s13], [sflag:$0x1] =	stream.indirect.gather [hbm4b:s4+s12], $0x40, s11, s12, $0xb8;
	[tilespmem:$0x17E00] =	vst v63  }
0xb6: {  	s14 =	simm.s32 $0x6420  }
0xb7: {  	[tilespmem:s15], [sflag:$0x1] =	stream.indirect.gather [hbm4b:s4+s12], $0x40, s14, s12, $0xb8;
	[tilespmem:$0x17E00] =	vst v63  }
0xb8: {  	s16 =	simm.s32 $0x6440  }
0xb9: {  	[tilespmem:s17], [sflag:$0x1] =	stream.indirect.gather [hbm4b:s4+s12], $0x40, s16, s12, $0xb8;
	[tilespmem:$0x17E00] =	vst v63  }
0xba: {  	s18 =	simm.s32 $0x6460;
	s1 =	simm.s32 $0x0;
	s0 =	simm.s32 $0x0  }
0xbb: {  	[tilespmem:s19], [sflag:$0x1] =	stream.indirect.gather [hbm4b:s4+s12], $0x40, s18, s12, $0xb8;
	[tilespmem:$0x17E00] =	vst v63  }
.LBB2_4:
0xbc: {  	s10 =	sshllo.u32 s0, $0x1  }
0xbd: {  	s5 =	sshll.u32 s10, $0x7  }
0xbe: {  	s5 =	sand.u32 $0x3FFFFF80, s5  }
0xbf: {  	s6 =	sadd.s32 $0x6400, s5  }
0xc0: {  	[tilespmem:s20], [sflag:$0x2] =	stream.indirect.gather [hbm4b:s4+s12], $0x40, s6, s12, $0xb8;
	[tilespmem:$0x17E00] =	vst v63  }
0xc1: {  	s14 =	sadd.s32 $0x6420, s5  }
0xc2: {  	[tilespmem:s21], [sflag:$0x2] =	stream.indirect.gather [hbm4b:s4+s12], $0x40, s14, s12, $0xb8;
	[tilespmem:$0x17E00] =	vst v63  }
0xc3: {  	s16 =	sadd.s32 $0x6440, s5  }
0xc4: {  	[tilespmem:s22], [sflag:$0x2] =	stream.indirect.gather [hbm4b:s4+s12], $0x40, s16, s12, $0xb8;
	[tilespmem:$0x17E00] =	vst v63  }
0xc5: {  	s5 =	sadd.s32 $0x6460, s5  }
0xc6: {  	[tilespmem:s23], [sflag:$0x2] =	stream.indirect.gather [hbm4b:s4+s12], $0x40, s5, s12, $0xb8;
	[tilespmem:$0x17E00] =	vst v63  }
0xc7: {  	_ =	swait.ge [sflag:s24], $0x2000  }
0xc8: {  	p0 =	seq.s32 s0, $0x0;
	[sflag:s24] =	ssyncset.done $0x0  }
0xc9: {  	s5 =	simm.s32 @!p0 $0x3;
	[sflag:s24] =	ssyncadd.s32 $0xFFFFE000  }
0xca: {  	_ =	swait.ge @!p0 [sflag:s5], $0x2000  }
0xcb: {  	s18 =	sshll.u32 s0, $0x7;
	[sflag:s5] =	ssyncset.done @!p0 $0x0  }
0xcc: {  	s6 =	sand.u32 $0x3FFFFF80, s18;
	[sflag:s5] =	ssyncadd.s32 @!p0 $0xFFFFE000  }
0xcd: {  	s14 =	simm.s32 $0x3;
	s5 =	simm.s32 $0xFA80;
	v22 =	vld [tilespmem:s6+$0xC800]  }
0xce: {  	v17 =	vmov s14;
	v20 =	vld [tilespmem:s5+$0x40]  }
0xcf: {  	v26 =	vand.u32 $0x7F, v17  }
0xd0: {  	v21 =	vadd.s32 v11, v26;
	v19 =	vld [tilespmem:s6+$0xC810]  }
0xd1: {  	s8 =	simm.s32 $0x1;
	v17 =	vmov s1;
	s16 =	simm.s32 $0x2;
	v23 =	vld [tilespmem:s5+$0xFFFFFF80]  }
0xd2: {  	v25 =	vand.u32 $0x7C, v17;
	v17 =	vmov s8;
	v27 =	vmov s16;
	v24 =	vld [tilespmem:s5+$0xFFFFFFC0]  }
0xd3: {  	v28 =	vadd.s32 v11, v25;
	v32 =	vand.u32 $0x7D, v17;
	v29 =	vld [tilespmem:s5+$0x0];
	v20 =	vadd.f32 v20, v22  }
0xd4: {  	v33 =	vand.u32 $0x7E, v27;
	v30 =	vadd.s32 v11, v32;
	v18 =	vld [tilespmem:s6+$0xC820]  }
0xd5: {  	v27 =	vadd.s32 v11, v33;
	v17 =	vld [tilespmem:s6+$0xC830];
	[tilespmem:v21+s25+$0x0] =	vst.idx.msk $0xffff, v20  }
0xd6: {  	v20 =	vadd.f32 v23, v22;
	v21 =	vld [tilespmem:s5+$0x50]  }
0xd7: {  	v23 =	vadd.f32 v24, v22  }
0xd8: {  	v24 =	vadd.s32 v14, v26;
	[tilespmem:v28+s25+$0x0] =	vst.idx.msk $0xffff, v20;
	v20 =	vadd.f32 v29, v22  }
0xd9: {  	[tilespmem:v30+s25+$0x0] =	vst.idx.msk $0xffff, v23;
	v28 =	vld [tilespmem:s5+$0xFFFFFF90]  }
0xda: {  	v23 =	vld [tilespmem:s5+$0xFFFFFFD0];
	[tilespmem:v27+s25+$0x0] =	vst.idx.msk $0xffff, v20  }
0xdb: {  	v27 =	vld [tilespmem:s5+$0x10];
	v20 =	vadd.f32 v21, v19  }
0xdc: {  	s14 =	simm.s32 $0xFB80;
	s8 =	simm.s32 $0x7;
	v39 =	vadd.s32 v15, v26;
	v29 =	vadd.s32 v14, v32  }
0xdd: {  	s18 =	simm.s32 $0x4;
	v44 =	vadd.s32 v16, v26;
	v31 =	vld [tilespmem:s14+$0x40];
	v30 =	vadd.s32 v14, v33;
	[tilespmem:v24+s25+$0x0] =	vst.idx.msk $0xffff, v20;
	v20 =	vmov s8  }
0xde: {  	v34 =	vadd.s32 v14, v25;
	v21 =	vmov s18;
	v20 =	vand.u32 $0x7F, v20;
	v35 =	vld [tilespmem:s5+$0x60]  }
0xdf: {  	s16 =	simm.s32 $0x5;
	v36 =	vld [tilespmem:s14+$0xFFFFFF80];
	v21 =	vand.u32 $0x7C, v21;
	v23 =	vadd.f32 v23, v19;
	v37 =	vadd.s32 v11, v20  }
0xe0: {  	v38 =	vld [tilespmem:s14+$0xFFFFFFC0];
	s18 =	simm.s32 $0x6;
	v28 =	vadd.f32 v28, v19;
	v24 =	vadd.f32 v27, v19;
	v27 =	vmov s16  }
0xe1: {  	v40 =	vadd.s32 v11, v21;
	[tilespmem:v29+s25+$0x0] =	vst.idx.msk $0xffff, v23;
	v29 =	vmov s18;
	v23 =	vand.u32 $0x7D, v27;
	v27 =	vld [tilespmem:s14+$0x0]  }
0xe2: {  	[tilespmem:v30+s25+$0x0] =	vst.idx.msk $0xffff, v24;
	v30 =	vadd.s32 v11, v23;
	v24 =	vand.u32 $0x7E, v29;
	v29 =	vadd.f32 v31, v22;
	v31 =	vld [tilespmem:s5+$0xFFFFFFE0]  }
0xe3: {  	[tilespmem:v34+s25+$0x0] =	vst.idx.msk $0xffff, v28;
	v28 =	vadd.s32 v11, v24;
	v58 =	vld [tilespmem:s5+$0x20];
	v35 =	vadd.f32 v35, v18  }
0xe4: {  	v59 =	vadd.s32 v15, v32;
	v36 =	vadd.f32 v36, v22;
	[tilespmem:v37+s25+$0x0] =	vst.idx.msk $0xffff, v29;
	v29 =	vld [tilespmem:s5+$0xFFFFFFA0]  }
0xe5: {  	v42 =	vadd.s32 v15, v33;
	v38 =	vadd.f32 v38, v22;
	v41 =	vld [tilespmem:s14+$0x50];
	[tilespmem:v39+s25+$0x0] =	vst.idx.msk $0xffff, v35  }
0xe6: {  	v60 =	vadd.s32 v15, v25;
	[tilespmem:v40+s25+$0x0] =	vst.idx.msk $0xffff, v36;
	v27 =	vadd.f32 v27, v22;
	v39 =	vld [tilespmem:s5+$0x70]  }
0xe7: {  	v61 =	vadd.s32 v14, v20;
	v40 =	vld [tilespmem:s14+$0xFFFFFF90];
	[tilespmem:v30+s25+$0x0] =	vst.idx.msk $0xffff, v38;
	v31 =	vadd.f32 v31, v18  }
0xe8: {  	v32 =	vadd.s32 v16, v32;
	v43 =	vld [tilespmem:s14+$0xFFFFFFD0];
	[tilespmem:v28+s25+$0x0] =	vst.idx.msk $0xffff, v27;
	v27 =	vadd.f32 v58, v18  }
0xe9: {  	v35 =	vadd.s32 v14, v21;
	v30 =	vld [tilespmem:s14+$0x10];
	[tilespmem:v59+s25+$0x0] =	vst.idx.msk $0xffff, v31;
	v26 =	vadd.f32 v29, v18  }
0xea: {  	v34 =	vadd.s32 v14, v23;
	v29 =	vld [tilespmem:s5+$0xFFFFFFF0];
	[tilespmem:v42+s25+$0x0] =	vst.idx.msk $0xffff, v27;
	v31 =	vadd.f32 v41, v19  }
0xeb: {  	s18 =	simm.s32 $0x8;
	v27 =	vadd.s32 v14, v24;
	v28 =	vld [tilespmem:s5+$0x30];
	[tilespmem:v60+s25+$0x0] =	vst.idx.msk $0xffff, v26;
	v63 =	vadd.f32 v39, v17  }
0xec: {  	v33 =	vadd.s32 v16, v33;
	s8 =	simm.s32 $0xB;
	s16 =	simm.s32 $0xFC80;
	v62 =	vmov s18;
	v37 =	vadd.f32 v40, v19;
	[tilespmem:v61+s25+$0x0] =	vst.idx.msk $0xffff, v31;
	v31 =	vld [tilespmem:s5+$0xFFFFFFB0]  }
0xed: {  	v36 =	vld [tilespmem:s16+$0x40];
	v26 =	vand.u32 $0x7C, v62;
	v39 =	vmov s8;
	s5 =	simm.s32 $0xC;
	v38 =	vadd.f32 v43, v19;
	[tilespmem:v44+s25+$0x0] =	vst.idx.msk $0xffff, v63  }
.LBB2_5:
0xee: {  	p1 =	slt.u32 s5, $0x7C;
	s6 =	sadd.s32 $0x1, s18;
	v39 =	vand.u32 $0x7F, v39;
	[tilespmem:v35+s25+$0x0] =	vst.idx.msk $0xffff, v37;
	v30 =	vadd.f32 v30, v19;
	v35 =	vld [tilespmem:s14+$0x60];
	v37 =	vadd.s32 v16, v25  }
0xef: {  	v43 =	vmovc v24;
	v40 =	vld [tilespmem:s16+$0xFFFFFF80];
	v41 =	vmov s6;
	s6 =	sadd.s32 $0x2, s18;
	v42 =	vadd.s32 v11, v39;
	[tilespmem:v34+s25+$0x0] =	vst.idx.msk $0xffff, v38;
	v29 =	vadd.f32 v29, v17;
	s18 =	smov.u32 s5  }
0xf0: {  	v25 =	vmovc v21;
	v34 =	vld [tilespmem:s16+$0xFFFFFFC0];
	v24 =	vmov s6;
	[tilespmem:v27+s25+$0x0] =	vst.idx.msk $0xffff, v30;
	v27 =	vadd.s32 v15, v20;
	v28 =	vadd.f32 v28, v17  }
0xf1: {  	v30 =	vadd.s32 v11, v26;
	v41 =	vand.u32 $0x7D, v41;
	v38 =	vld [tilespmem:s16+$0x0];
	v44 =	vadd.f32 v31, v17;
	[tilespmem:v32+s25+$0x0] =	vst.idx.msk $0xffff, v29  }
0xf2: {  	v29 =	vadd.s32 v11, v41;
	v24 =	vand.u32 $0x7E, v24;
	v31 =	vadd.f32 v36, v22;
	v32 =	vld [tilespmem:s14+$0xFFFFFFE0];
	[tilespmem:v33+s25+$0x0] =	vst.idx.msk $0xffff, v28  }
0xf3: {  	v21 =	vmov v26;
	v28 =	vadd.s32 v11, v24;
	v33 =	vld [tilespmem:s14+$0x20];
	v35 =	vadd.f32 v35, v18;
	[tilespmem:v37+s25+$0x0] =	vst.idx.msk $0xffff, v44  }
0xf4: {  	v36 =	vadd.s32 v15, v23;
	v26 =	vadd.f32 v40, v22;
	[tilespmem:v42+s25+$0x0] =	vst.idx.msk $0xffff, v31;
	v31 =	vld [tilespmem:s14+$0xFFFFFFA0]  }
0xf5: {  	v40 =	vadd.s32 v15, v43;
	v34 =	vadd.f32 v34, v22;
	v37 =	vld [tilespmem:s16+$0x50];
	[tilespmem:v27+s25+$0x0] =	vst.idx.msk $0xffff, v35  }
0xf6: {  	[tilespmem:v30+s25+$0x0] =	vst.idx.msk $0xffff, v26;
	v26 =	vadd.f32 v38, v22;
	v38 =	vadd.s32 v15, v25;
	v42 =	vld [tilespmem:s14+$0x70]  }
0xf7: {  	v45 =	vadd.s32 v14, v39;
	v44 =	vld [tilespmem:s16+$0xFFFFFF90];
	[tilespmem:v29+s25+$0x0] =	vst.idx.msk $0xffff, v34;
	v27 =	vadd.f32 v32, v18  }
0xf8: {  	v47 =	vadd.s32 v16, v20;
	v20 =	vmov v39;
	v46 =	vld [tilespmem:s16+$0xFFFFFFD0];
	[tilespmem:v28+s25+$0x0] =	vst.idx.msk $0xffff, v26;
	v26 =	vadd.f32 v33, v18  }
.Ltmp1:
0xf9: {  	v35 =	vadd.s32 v14, v21;
	v30 =	vld [tilespmem:s16+$0x10];
	v28 =	vadd.f32 v31, v18;
	[tilespmem:v36+s25+$0x0] =	vst.idx.msk $0xffff, v27;
	(pc) =	sbr.rel @p1 .LBB2_5-.Ltmp1, $4  }
0xfa: {  	v34 =	vadd.s32 v14, v41;
	v31 =	vadd.f32 v37, v19;
	v29 =	vld [tilespmem:s14+$0xFFFFFFF0];
	[tilespmem:v40+s25+$0x0] =	vst.idx.msk $0xffff, v26  }
0xfb: {  	v27 =	vadd.s32 v14, v24;
	v26 =	vmov s5;
	[tilespmem:v38+s25+$0x0] =	vst.idx.msk $0xffff, v28;
	v28 =	vld [tilespmem:s14+$0x30];
	v40 =	vadd.f32 v42, v17  }
0xfc: {  	s6 =	sadd.s32 $0x3, s5;
	v32 =	vadd.s32 v16, v23;
	v26 =	vand.u32 $0x7C, v26;
	v37 =	vadd.f32 v44, v19;
	[tilespmem:v45+s25+$0x0] =	vst.idx.msk $0xffff, v31;
	v31 =	vld [tilespmem:s14+$0xFFFFFFB0];
	s14 =	smov.u32 s16;
	s16 =	sadd.s32 $0x100, s16  }
0xfd: {  	v39 =	vmov s6;
	v23 =	vmovc v41;
	v33 =	vadd.s32 v16, v43;
	s5 =	sadd.s32 $0x4, s5;
	v36 =	vld [tilespmem:s16+$0x40];
	v38 =	vadd.f32 v46, v19;
	[tilespmem:v47+s25+$0x0] =	vst.idx.msk $0xffff, v40  }
0xfe: {  	s5 =	sadd.s32 $0x1, s18  }
0xff: {  	v39 =	vand.u32 $0x7F, v39;
	s8 =	sadd.s32 $0x2, s18;
	v41 =	vld [tilespmem:s16+$0xFFFFFFC0];
	v40 =	vmov s5  }
0x100: {  	v44 =	vld [tilespmem:s16+$0x0];
	v42 =	vadd.s32 v11, v39;
	v43 =	vmov s8;
	v40 =	vand.u32 $0x7D, v40  }
0x101: {  	v45 =	vld [tilespmem:s16+$0xFFFFFF80];
	v43 =	vand.u32 $0x7E, v43;
	v46 =	vadd.s32 v11, v40  }
0x102: {  	v47 =	vadd.s32 v11, v43  }
0x103: {  	[tilespmem:v35+s25+$0x0] =	vst.idx.msk $0xffff, v37;
	v58 =	vadd.s32 v11, v26;
	v36 =	vadd.f32 v36, v22  }
0x104: {  	[tilespmem:v34+s25+$0x0] =	vst.idx.msk $0xffff, v38;
	v59 =	vadd.f32 v41, v22  }
0x105: {  	v60 =	vadd.f32 v44, v22;
	[tilespmem:v42+s25+$0x0] =	vst.idx.msk $0xffff, v36  }
0x106: {  	v25 =	vadd.s32 v16, v25;
	v61 =	vadd.f32 v45, v22;
	v62 =	vld [tilespmem:s16+$0x50];
	[tilespmem:v46+s25+$0x0] =	vst.idx.msk $0xffff, v59  }
0x107: {  	v30 =	vadd.f32 v30, v19;
	[tilespmem:v47+s25+$0x0] =	vst.idx.msk $0xffff, v60;
	v34 =	vld [tilespmem:s16+$0xFFFFFFD0]  }
0x108: {  	v29 =	vadd.f32 v29, v17;
	v63 =	vadd.s32 v14, v39;
	[tilespmem:v58+s25+$0x0] =	vst.idx.msk $0xffff, v61;
	v41 =	vld [tilespmem:s16+$0x10]  }
0x109: {  	[tilespmem:v27+s25+$0x0] =	vst.idx.msk $0xffff, v30;
	v31 =	vadd.f32 v31, v17;
	v45 =	vadd.s32 v14, v40;
	v44 =	vld [tilespmem:s16+$0xFFFFFF90]  }
0x10a: {  	v54 =	vld [tilespmem:s14+$0xFFFFFFA0];
	[tilespmem:v32+s25+$0x0] =	vst.idx.msk $0xffff, v29;
	v42 =	vadd.f32 v28, v17;
	v47 =	vadd.s32 v14, v43  }
0x10b: {  	v49 =	vadd.s32 v14, v26;
	v48 =	vld [tilespmem:s14+$0xFFFFFFE0];
	[tilespmem:v25+s25+$0x0] =	vst.idx.msk $0xffff, v31;
	v50 =	vadd.f32 v62, v19  }
0x10c: {  	v46 =	vld [tilespmem:s14+$0x60];
	[tilespmem:v33+s25+$0x0] =	vst.idx.msk $0xffff, v42;
	v60 =	vadd.s32 v15, v21;
	v53 =	vadd.f32 v34, v19  }
0x10d: {  	v55 =	vadd.s32 v15, v23;
	v52 =	vld [tilespmem:s14+$0x20];
	[tilespmem:v63+s25+$0x0] =	vst.idx.msk $0xffff, v50;
	v56 =	vadd.f32 v41, v19  }
0x10e: {  	v51 =	vadd.s32 v15, v20;
	v19 =	vadd.f32 v44, v19;
	v58 =	vld [tilespmem:s16+$0x60];
	[tilespmem:v45+s25+$0x0] =	vst.idx.msk $0xffff, v53  }
0x10f: {  	v57 =	vadd.s32 v15, v24;
	v31 =	vadd.f32 v54, v18;
	[tilespmem:v47+s25+$0x0] =	vst.idx.msk $0xffff, v56;
	v61 =	vld [tilespmem:s16+$0xFFFFFFE0]  }
0x110: {  	v62 =	vadd.f32 v48, v18;
	[tilespmem:v49+s25+$0x0] =	vst.idx.msk $0xffff, v19;
	v19 =	vadd.s32 v15, v39;
	v63 =	vld [tilespmem:s16+$0x20]  }
0x111: {  	v59 =	vadd.f32 v46, v18;
	[tilespmem:v60+s25+$0x0] =	vst.idx.msk $0xffff, v31;
	v44 =	vadd.s32 v15, v40;
	v42 =	vld [tilespmem:s16+$0xFFFFFFA0]  }
0x112: {  	v46 =	vadd.s32 v15, v43;
	v41 =	vadd.f32 v52, v18;
	[tilespmem:v55+s25+$0x0] =	vst.idx.msk $0xffff, v62;
	v31 =	vld [tilespmem:s14+$0xFFFFFFB0]  }
0x113: {  	v48 =	vadd.s32 v15, v26;
	[tilespmem:v51+s25+$0x0] =	vst.idx.msk $0xffff, v59;
	v34 =	vld [tilespmem:s14+$0xFFFFFFF0];
	v47 =	vadd.f32 v58, v18  }
0x114: {  	v54 =	vadd.s32 v16, v21;
	v45 =	vld [tilespmem:s14+$0x70];
	[tilespmem:v57+s25+$0x0] =	vst.idx.msk $0xffff, v41;
	v22 =	vadd.f32 v61, v18  }
0x115: {  	v51 =	vadd.s32 v16, v23;
	v50 =	vld [tilespmem:s14+$0x30];
	[tilespmem:v19+s25+$0x0] =	vst.idx.msk $0xffff, v47;
	v19 =	vadd.f32 v63, v18  }
0x116: {  	v49 =	vadd.s32 v16, v20;
	v18 =	vadd.f32 v42, v18;
	v25 =	vld [tilespmem:s16+$0x70];
	[tilespmem:v44+s25+$0x0] =	vst.idx.msk $0xffff, v22  }
0x117: {  	v52 =	vadd.s32 v16, v24;
	v60 =	vadd.f32 v31, v17;
	[tilespmem:v46+s25+$0x0] =	vst.idx.msk $0xffff, v19;
	v55 =	vld [tilespmem:s16+$0xFFFFFFF0]  }
0x118: {  	v56 =	vadd.s32 v16, v39;
	v19 =	vadd.f32 v34, v17;
	[tilespmem:v48+s25+$0x0] =	vst.idx.msk $0xffff, v18;
	v18 =	vld [tilespmem:s16+$0x30]  }
0x119: {  	v59 =	vadd.s32 v16, v40;
	v53 =	vadd.f32 v45, v17;
	[tilespmem:v54+s25+$0x0] =	vst.idx.msk $0xffff, v60;
	v58 =	vld [tilespmem:s16+$0xFFFFFFB0]  }
0x11a: {  	v57 =	vadd.f32 v50, v17;
	[tilespmem:v51+s25+$0x0] =	vst.idx.msk $0xffff, v19;
	v19 =	vadd.s32 v16, v43  }
0x11b: {  	v62 =	vadd.s32 v16, v26;
	[tilespmem:v49+s25+$0x0] =	vst.idx.msk $0xffff, v53;
	v61 =	vadd.f32 v25, v17  }
0x11c: {  	[tilespmem:v52+s25+$0x0] =	vst.idx.msk $0xffff, v57;
	v63 =	vadd.f32 v55, v17  }
0x11d: {  	s18 =	sshll.u32 s0, $0x13;
	[tilespmem:v56+s25+$0x0] =	vst.idx.msk $0xffff, v61;
	v18 =	vadd.f32 v18, v17  }
0x11e: {  	s5 =	sor.u32 s7, s18;
	v17 =	vadd.f32 v58, v17;
	[tilespmem:v59+s25+$0x0] =	vst.idx.msk $0xffff, v63  }
0x11f: {  	s5 =	sshrl.u32 s5, $0x3;
	[tilespmem:v19+s25+$0x0] =	vst.idx.msk $0xffff, v18  }
0x120: {  	s6 =	simm.s32 $0x13A00;
	s14 =	sadd.s32 s2, s5;
	[tilespmem:v62+s25+$0x0] =	vst.idx.msk $0xffff, v17  }
0x121: {  	[hbm4b:s14+s3] =	stream.linear.scatter [tilespmem:s6], [sflag:$0x3], $0x80, $0x38;
	[tilespmem:$0x17E00] =	vst v63  }
0x122: {  	s8 =	simm.s32 $0x13A88;
	s6 =	sadd.s32 $0x10, s14  }
0x123: {  	[hbm4b:s6+s3] =	stream.linear.scatter [tilespmem:s8], [sflag:$0x3], $0x80, $0x38;
	[tilespmem:$0x17E00] =	vst v63  }
0x124: {  	s18 =	sadd.s32 $0x20, s14;
	s16 =	simm.s32 $0x13B10  }
0x125: {  	[hbm4b:s18+s3] =	stream.linear.scatter [tilespmem:s16], [sflag:$0x3], $0x80, $0x38;
	[tilespmem:$0x17E00] =	vst v63  }
0x126: {  	s6 =	simm.s32 $0x13B98;
	s8 =	sadd.s32 $0x30, s14  }
0x127: {  	[hbm4b:s8+s3] =	stream.linear.scatter [tilespmem:s6], [sflag:$0x3], $0x80, $0x38;
	[tilespmem:$0x17E00] =	vst v63  }
0x128: {  	s16 =	simm.s32 $0x13C20;
	s18 =	sadd.s32 $0x40, s14  }
0x129: {  	[hbm4b:s18+s3] =	stream.linear.scatter [tilespmem:s16], [sflag:$0x3], $0x80, $0x38;
	[tilespmem:$0x17E00] =	vst v63  }
0x12a: {  	s5 =	simm.s32 $0x440;
	s6 =	simm.s32 $0x13CA8;
	s8 =	sadd.s32 $0x50, s14  }
0x12b: {  	[hbm4b:s8+s3] =	stream.linear.scatter [tilespmem:s6], [sflag:$0x3], $0x80, $0x38;
	[tilespmem:$0x17E00] =	vst v63  }
0x12c: {  	s16 =	simm.s32 $0x13D30;
	s18 =	sadd.s32 $0x60, s14;
	s6 =	sadd.s32 $0x70, s14  }
0x12d: {  	[hbm4b:s18+s3] =	stream.linear.scatter [tilespmem:s16], [sflag:$0x3], $0x80, $0x38;
	[tilespmem:$0x17E00] =	vst v63  }
0x12e: {  	s14 =	sadd.s32 $0x1000, s14;
	s16 =	simm.s32 $0x2200;
	s18 =	simm.s32 $0x13DB8  }
.LBB2_7:
0x12f: {  	[hbm4b:s6+s3] =	stream.linear.scatter [tilespmem:s18], [sflag:$0x3], $0x80, $0x38;
	[tilespmem:$0x17E00] =	vst v63  }
0x130: {  	s6 =	smov.u32 s5;
	s5 =	smov.u32 s16  }
0x131: {  	s8 =	sadd.s32 $0x1100, s16;
	s5 =	sshra.s32 s5, $0x2;
	s18 =	sadd.s32 $0x13A00, s6  }
0x132: {  	[hbm4b:s14+s3] =	stream.linear.scatter [tilespmem:s18], [sflag:$0x3], $0x80, $0x38;
	[tilespmem:$0x17E00] =	vst v63  }
0x133: {  	p1 =	sne.s32 s16, $0x7700;
	s16 =	sadd.s32 $0x13A88, s6;
	s18 =	sadd.s32 $0x10, s14  }
0x134: {  	[hbm4b:s18+s3] =	stream.linear.scatter [tilespmem:s16], [sflag:$0x3], $0x80, $0x38;
	[tilespmem:$0x17E00] =	vst v63  }
0x135: {  	s16 =	sadd.s32 $0x13B10, s6;
	s18 =	sadd.s32 $0x20, s14  }
0x136: {  	[hbm4b:s18+s3] =	stream.linear.scatter [tilespmem:s16], [sflag:$0x3], $0x80, $0x38;
	[tilespmem:$0x17E00] =	vst v63  }
0x137: {  	s16 =	sadd.s32 $0x13B98, s6;
	s18 =	sadd.s32 $0x30, s14  }
0x138: {  	[hbm4b:s18+s3] =	stream.linear.scatter [tilespmem:s16], [sflag:$0x3], $0x80, $0x38;
	[tilespmem:$0x17E00] =	vst v63  }
0x139: {  	s16 =	sadd.s32 $0x13C20, s6;
	s18 =	sadd.s32 $0x40, s14  }
0x13a: {  	[hbm4b:s18+s3] =	stream.linear.scatter [tilespmem:s16], [sflag:$0x3], $0x80, $0x38;
	[tilespmem:$0x17E00] =	vst v63  }
0x13b: {  	s16 =	sadd.s32 $0x13CA8, s6;
	s18 =	sadd.s32 $0x50, s14  }
0x13c: {  	[hbm4b:s18+s3] =	stream.linear.scatter [tilespmem:s16], [sflag:$0x3], $0x80, $0x38;
	[tilespmem:$0x17E00] =	vst v63  }
.Ltmp2:
0x13d: {  	_ = 	snop;
	(pc) =	sbr.rel @p1 .LBB2_7-.Ltmp2, $4  }
0x13e: {  	s16 =	sadd.s32 $0x13D30, s6;
	s18 =	sadd.s32 $0x60, s14  }
0x13f: {  	[hbm4b:s18+s3] =	stream.linear.scatter [tilespmem:s16], [sflag:$0x3], $0x80, $0x38;
	[tilespmem:$0x17E00] =	vst v63  }
0x140: {  	s18 =	sadd.s32 $0x13DB8, s6  }
0x141: {  	s6 =	sadd.s32 $0x70, s14;
	s14 =	sadd.s32 $0x1000, s14;
	s16 =	smov.u32 s8  }
0x142: {  	[hbm4b:s6+s3] =	stream.linear.scatter [tilespmem:s18], [sflag:$0x3], $0x80, $0x38;
	[tilespmem:$0x17E00] =	vst v63  }
0x143: {  	s16 =	sadd.s32 $0x13A00, s5  }
0x144: {  	[hbm4b:s14+s3] =	stream.linear.scatter [tilespmem:s16], [sflag:$0x3], $0x80, $0x38;
	[tilespmem:$0x17E00] =	vst v63  }
0x145: {  	s18 =	sadd.s32 $0x13A88, s5;
	s8 =	sadd.s32 $0x10, s14  }
0x146: {  	[hbm4b:s8+s3] =	stream.linear.scatter [tilespmem:s18], [sflag:$0x3], $0x80, $0x38;
	[tilespmem:$0x17E00] =	vst v63  }
0x147: {  	s16 =	sadd.s32 $0x13B10, s5;
	s18 =	sadd.s32 $0x20, s14  }
0x148: {  	[hbm4b:s18+s3] =	stream.linear.scatter [tilespmem:s16], [sflag:$0x3], $0x80, $0x38;
	[tilespmem:$0x17E00] =	vst v63  }
0x149: {  	s16 =	sadd.s32 $0x13B98, s5;
	s18 =	sadd.s32 $0x30, s14  }
0x14a: {  	[hbm4b:s18+s3] =	stream.linear.scatter [tilespmem:s16], [sflag:$0x3], $0x80, $0x38;
	[tilespmem:$0x17E00] =	vst v63  }
0x14b: {  	s16 =	sadd.s32 $0x13C20, s5;
	s18 =	sadd.s32 $0x40, s14  }
0x14c: {  	[hbm4b:s18+s3] =	stream.linear.scatter [tilespmem:s16], [sflag:$0x3], $0x80, $0x38;
	[tilespmem:$0x17E00] =	vst v63  }
0x14d: {  	p1 =	sne.s32 s0, $0x63;
	s16 =	sadd.s32 $0x13CA8, s5;
	s18 =	sadd.s32 $0x50, s14  }
0x14e: {  	[hbm4b:s18+s3] =	stream.linear.scatter [tilespmem:s16], [sflag:$0x3], $0x80, $0x38;
	[tilespmem:$0x17E00] =	vst v63  }
.Ltmp3:
0x14f: {  	_ = 	snop;
	(pc) =	sbr.rel @p1 .LBB2_10-.Ltmp3, $4  }
0x150: {  	s16 =	sadd.s32 $0x13D30, s5;
	s18 =	sadd.s32 $0x60, s14  }
0x151: {  	[hbm4b:s18+s3] =	stream.linear.scatter [tilespmem:s16], [sflag:$0x3], $0x80, $0x38;
	[tilespmem:$0x17E00] =	vst v63  }
0x152: {  	s16 =	sadd.s32 $0x13DB8, s5;
	s18 =	sadd.s32 $0x70, s14  }
0x153: {  	[hbm4b:s18+s3] =	stream.linear.scatter [tilespmem:s16], [sflag:$0x3], $0x80, $0x38;
	[tilespmem:$0x17E00] =	vst v63  }
.Ltmp4:
0x154: {  	(pc) =	sbr.rel .LBB2_11-.Ltmp4, $4  }
0x155: {  	_ = 	snop  }
0x156: {  	_ =	swait.ge [sflag:s26], $0x2000  }
0x157: {  	[sflag:s26] =	ssyncset.done $0x0  }
0x158: {  	[sflag:s26] =	ssyncadd.s32 $0xFFFFE000  }
.LBB2_10:
0x159: {  	s5 =	sshll.u32 s0, $0x8  }
0x15a: {  	s5 =	sand.u32 $0x3FFFFF00, s5  }
0x15b: {  	s6 =	sadd.s32 $0x6500, s5  }
0x15c: {  	[tilespmem:s13], [sflag:$0x1] =	stream.indirect.gather [hbm4b:s4+s12], $0x40, s6, s12, $0xb8;
	[tilespmem:$0x17E00] =	vst v63  }
0x15d: {  	s16 =	sadd.s32 $0x6520, s5  }
0x15e: {  	[tilespmem:s15], [sflag:$0x1] =	stream.indirect.gather [hbm4b:s4+s12], $0x40, s16, s12, $0xb8;
	[tilespmem:$0x17E00] =	vst v63  }
0x15f: {  	s18 =	sadd.s32 $0x6540, s5  }
0x160: {  	[tilespmem:s17], [sflag:$0x1] =	stream.indirect.gather [hbm4b:s4+s12], $0x40, s18, s12, $0xb8;
	[tilespmem:$0x17E00] =	vst v63  }
.Ltmp5:
0x161: {  	s5 =	sadd.s32 $0x6560, s5;
	(pc) =	sbr.rel @p0 .LBB2_12-.Ltmp5, $4  }
0x162: {  	[tilespmem:s19], [sflag:$0x1] =	stream.indirect.gather [hbm4b:s4+s12], $0x40, s5, s12, $0xb8;
	[tilespmem:$0x17E00] =	vst v63  }
0x163: {  	_ =	swait.ge [sflag:s26], $0x2000  }
0x164: {  	[sflag:s26] =	ssyncset.done $0x0  }
0x165: {  	[sflag:s26] =	ssyncadd.s32 $0xFFFFE000  }
.LBB2_11:
0x166: {  	_ =	swait.ge [sflag:s28], $0x2000  }
0x167: {  	[sflag:s28] =	ssyncset.done $0x0  }
0x168: {  	[sflag:s28] =	ssyncadd.s32 $0xFFFFE000  }
.LBB2_12:
0x169: {  	s5 =	sshll.u32 s10, $0x6  }
0x16a: {  	s6 =	sand.u32 $0x3FFFFFC0, s5  }
0x16b: {  	s8 =	simm.s32 $0x3;
	s5 =	simm.s32 $0x11A80;
	v22 =	vld [tilespmem:s6+$0xC800]  }
0x16c: {  	v17 =	vmov s8;
	v20 =	vld [tilespmem:s5+$0x40]  }
0x16d: {  	v26 =	vand.u32 $0x7F, v17  }
0x16e: {  	s16 =	simm.s32 $0x0;
	v19 =	vld [tilespmem:s6+$0xC810];
	v21 =	vadd.s32 v11, v26  }
0x16f: {  	s18 =	simm.s32 $0x1;
	s14 =	simm.s32 $0x2;
	v17 =	vmov s16;
	v23 =	vld [tilespmem:s5+$0xFFFFFF80]  }
0x170: {  	v27 =	vmov s14;
	v24 =	vld [tilespmem:s5+$0xFFFFFFC0];
	v25 =	vand.u32 $0x7C, v17;
	v17 =	vmov s18  }
0x171: {  	v29 =	vld [tilespmem:s5+$0x0];
	v28 =	vadd.s32 v11, v25;
	v32 =	vand.u32 $0x7D, v17;
	v20 =	vadd.f32 v20, v22  }
0x172: {  	v18 =	vld [tilespmem:s6+$0xC820];
	v33 =	vand.u32 $0x7E, v27;
	v30 =	vadd.s32 v11, v32  }
0x173: {  	v27 =	vadd.s32 v11, v33;
	v17 =	vld [tilespmem:s6+$0xC830];
	[tilespmem:v21+s29+$0x0] =	vst.idx.msk $0xffff, v20  }
0x174: {  	v20 =	vadd.f32 v23, v22;
	v21 =	vld [tilespmem:s5+$0x50]  }
0x175: {  	v23 =	vadd.f32 v24, v22  }
0x176: {  	v24 =	vadd.s32 v14, v26;
	[tilespmem:v28+s29+$0x0] =	vst.idx.msk $0xffff, v20;
	v20 =	vadd.f32 v29, v22  }
0x177: {  	[tilespmem:v30+s29+$0x0] =	vst.idx.msk $0xffff, v23;
	v28 =	vld [tilespmem:s5+$0xFFFFFF90]  }
0x178: {  	v23 =	vld [tilespmem:s5+$0xFFFFFFD0];
	[tilespmem:v27+s29+$0x0] =	vst.idx.msk $0xffff, v20  }
0x179: {  	v27 =	vld [tilespmem:s5+$0x10];
	v20 =	vadd.f32 v21, v19  }
0x17a: {  	s14 =	simm.s32 $0x11B80;
	s18 =	simm.s32 $0x7;
	v39 =	vadd.s32 v15, v26;
	v29 =	vadd.s32 v14, v32  }
0x17b: {  	s16 =	simm.s32 $0x4;
	v31 =	vld [tilespmem:s14+$0x40];
	v42 =	vadd.s32 v15, v33;
	v30 =	vadd.s32 v14, v33;
	[tilespmem:v24+s29+$0x0] =	vst.idx.msk $0xffff, v20;
	v20 =	vmov s18  }
0x17c: {  	v34 =	vadd.s32 v14, v25;
	v21 =	vmov s16;
	v20 =	vand.u32 $0x7F, v20;
	v35 =	vld [tilespmem:s5+$0x60]  }
0x17d: {  	v36 =	vld [tilespmem:s14+$0xFFFFFF80];
	s16 =	simm.s32 $0x5;
	v21 =	vand.u32 $0x7C, v21;
	v23 =	vadd.f32 v23, v19;
	v37 =	vadd.s32 v11, v20  }
0x17e: {  	v38 =	vld [tilespmem:s14+$0xFFFFFFC0];
	v28 =	vadd.f32 v28, v19;
	s18 =	simm.s32 $0x6;
	v24 =	vadd.f32 v27, v19;
	v27 =	vmov s16  }
0x17f: {  	v40 =	vadd.s32 v11, v21;
	[tilespmem:v29+s29+$0x0] =	vst.idx.msk $0xffff, v23;
	v29 =	vmov s18;
	v23 =	vand.u32 $0x7D, v27;
	v27 =	vld [tilespmem:s14+$0x0]  }
0x180: {  	[tilespmem:v30+s29+$0x0] =	vst.idx.msk $0xffff, v24;
	v30 =	vadd.s32 v11, v23;
	v24 =	vand.u32 $0x7E, v29;
	v29 =	vadd.f32 v31, v22;
	v31 =	vld [tilespmem:s5+$0xFFFFFFE0]  }
0x181: {  	[tilespmem:v34+s29+$0x0] =	vst.idx.msk $0xffff, v28;
	v28 =	vadd.s32 v11, v24;
	v58 =	vld [tilespmem:s5+$0x20];
	v35 =	vadd.f32 v35, v18  }
0x182: {  	v59 =	vadd.s32 v15, v32;
	v36 =	vadd.f32 v36, v22;
	[tilespmem:v37+s29+$0x0] =	vst.idx.msk $0xffff, v29;
	v29 =	vld [tilespmem:s5+$0xFFFFFFA0]  }
0x183: {  	v44 =	vadd.s32 v16, v26;
	v38 =	vadd.f32 v38, v22;
	v41 =	vld [tilespmem:s14+$0x50];
	[tilespmem:v39+s29+$0x0] =	vst.idx.msk $0xffff, v35  }
0x184: {  	v60 =	vadd.s32 v15, v25;
	[tilespmem:v40+s29+$0x0] =	vst.idx.msk $0xffff, v36;
	v27 =	vadd.f32 v27, v22;
	v39 =	vld [tilespmem:s5+$0x70]  }
0x185: {  	v61 =	vadd.s32 v14, v20;
	v40 =	vld [tilespmem:s14+$0xFFFFFF90];
	[tilespmem:v30+s29+$0x0] =	vst.idx.msk $0xffff, v38;
	v31 =	vadd.f32 v31, v18  }
0x186: {  	v32 =	vadd.s32 v16, v32;
	v43 =	vld [tilespmem:s14+$0xFFFFFFD0];
	[tilespmem:v28+s29+$0x0] =	vst.idx.msk $0xffff, v27;
	v27 =	vadd.f32 v58, v18  }
0x187: {  	v35 =	vadd.s32 v14, v21;
	v30 =	vld [tilespmem:s14+$0x10];
	[tilespmem:v59+s29+$0x0] =	vst.idx.msk $0xffff, v31;
	v26 =	vadd.f32 v29, v18  }
0x188: {  	v34 =	vadd.s32 v14, v23;
	v29 =	vld [tilespmem:s5+$0xFFFFFFF0];
	[tilespmem:v42+s29+$0x0] =	vst.idx.msk $0xffff, v27;
	v31 =	vadd.f32 v41, v19  }
0x189: {  	s18 =	simm.s32 $0x8;
	v27 =	vadd.s32 v14, v24;
	v28 =	vld [tilespmem:s5+$0x30];
	[tilespmem:v60+s29+$0x0] =	vst.idx.msk $0xffff, v26;
	v63 =	vadd.f32 v39, v17  }
0x18a: {  	s8 =	simm.s32 $0xB;
	v33 =	vadd.s32 v16, v33;
	s16 =	simm.s32 $0x11C80;
	v62 =	vmov s18;
	v37 =	vadd.f32 v40, v19;
	[tilespmem:v61+s29+$0x0] =	vst.idx.msk $0xffff, v31;
	v31 =	vld [tilespmem:s5+$0xFFFFFFB0]  }
0x18b: {  	v36 =	vld [tilespmem:s16+$0x40];
	v26 =	vand.u32 $0x7C, v62;
	v39 =	vmov s8;
	s5 =	simm.s32 $0xC;
	v38 =	vadd.f32 v43, v19;
	[tilespmem:v44+s29+$0x0] =	vst.idx.msk $0xffff, v63  }
.LBB2_13:
0x18c: {  	p0 =	slt.u32 s5, $0x7C;
	s6 =	sadd.s32 $0x1, s18;
	v39 =	vand.u32 $0x7F, v39;
	[tilespmem:v35+s29+$0x0] =	vst.idx.msk $0xffff, v37;
	v30 =	vadd.f32 v30, v19;
	v35 =	vld [tilespmem:s14+$0x60];
	v37 =	vadd.s32 v16, v25  }
0x18d: {  	v43 =	vmovc v24;
	v40 =	vld [tilespmem:s16+$0xFFFFFF80];
	v41 =	vmov s6;
	s6 =	sadd.s32 $0x2, s18;
	v42 =	vadd.s32 v11, v39;
	[tilespmem:v34+s29+$0x0] =	vst.idx.msk $0xffff, v38;
	v29 =	vadd.f32 v29, v17;
	s18 =	smov.u32 s5  }
0x18e: {  	v25 =	vmovc v21;
	v34 =	vld [tilespmem:s16+$0xFFFFFFC0];
	v24 =	vmov s6;
	[tilespmem:v27+s29+$0x0] =	vst.idx.msk $0xffff, v30;
	v27 =	vadd.s32 v15, v20;
	v28 =	vadd.f32 v28, v17  }
0x18f: {  	v30 =	vadd.s32 v11, v26;
	v41 =	vand.u32 $0x7D, v41;
	v38 =	vld [tilespmem:s16+$0x0];
	v44 =	vadd.f32 v31, v17;
	[tilespmem:v32+s29+$0x0] =	vst.idx.msk $0xffff, v29  }
0x190: {  	v29 =	vadd.s32 v11, v41;
	v24 =	vand.u32 $0x7E, v24;
	v31 =	vadd.f32 v36, v22;
	v32 =	vld [tilespmem:s14+$0xFFFFFFE0];
	[tilespmem:v33+s29+$0x0] =	vst.idx.msk $0xffff, v28  }
0x191: {  	v21 =	vmov v26;
	v28 =	vadd.s32 v11, v24;
	v33 =	vld [tilespmem:s14+$0x20];
	v35 =	vadd.f32 v35, v18;
	[tilespmem:v37+s29+$0x0] =	vst.idx.msk $0xffff, v44  }
0x192: {  	v36 =	vadd.s32 v15, v23;
	v26 =	vadd.f32 v40, v22;
	[tilespmem:v42+s29+$0x0] =	vst.idx.msk $0xffff, v31;
	v31 =	vld [tilespmem:s14+$0xFFFFFFA0]  }
0x193: {  	v40 =	vadd.s32 v15, v43;
	v34 =	vadd.f32 v34, v22;
	v37 =	vld [tilespmem:s16+$0x50];
	[tilespmem:v27+s29+$0x0] =	vst.idx.msk $0xffff, v35  }
0x194: {  	[tilespmem:v30+s29+$0x0] =	vst.idx.msk $0xffff, v26;
	v26 =	vadd.f32 v38, v22;
	v38 =	vadd.s32 v15, v25;
	v42 =	vld [tilespmem:s14+$0x70]  }
0x195: {  	v45 =	vadd.s32 v14, v39;
	v44 =	vld [tilespmem:s16+$0xFFFFFF90];
	[tilespmem:v29+s29+$0x0] =	vst.idx.msk $0xffff, v34;
	v27 =	vadd.f32 v32, v18  }
0x196: {  	v47 =	vadd.s32 v16, v20;
	v20 =	vmov v39;
	v46 =	vld [tilespmem:s16+$0xFFFFFFD0];
	[tilespmem:v28+s29+$0x0] =	vst.idx.msk $0xffff, v26;
	v26 =	vadd.f32 v33, v18  }
.Ltmp6:
0x197: {  	v35 =	vadd.s32 v14, v21;
	v30 =	vld [tilespmem:s16+$0x10];
	v28 =	vadd.f32 v31, v18;
	[tilespmem:v36+s29+$0x0] =	vst.idx.msk $0xffff, v27;
	(pc) =	sbr.rel @p0 .LBB2_13-.Ltmp6, $4  }
0x198: {  	v34 =	vadd.s32 v14, v41;
	v31 =	vadd.f32 v37, v19;
	v29 =	vld [tilespmem:s14+$0xFFFFFFF0];
	[tilespmem:v40+s29+$0x0] =	vst.idx.msk $0xffff, v26  }
0x199: {  	v27 =	vadd.s32 v14, v24;
	v26 =	vmov s5;
	[tilespmem:v38+s29+$0x0] =	vst.idx.msk $0xffff, v28;
	v28 =	vld [tilespmem:s14+$0x30];
	v40 =	vadd.f32 v42, v17  }
0x19a: {  	s6 =	sadd.s32 $0x3, s5;
	v32 =	vadd.s32 v16, v23;
	v26 =	vand.u32 $0x7C, v26;
	v37 =	vadd.f32 v44, v19;
	[tilespmem:v45+s29+$0x0] =	vst.idx.msk $0xffff, v31;
	v31 =	vld [tilespmem:s14+$0xFFFFFFB0];
	s14 =	smov.u32 s16;
	s16 =	sadd.s32 $0x100, s16  }
0x19b: {  	v39 =	vmov s6;
	v23 =	vmovc v41;
	v33 =	vadd.s32 v16, v43;
	s5 =	sadd.s32 $0x4, s5;
	v36 =	vld [tilespmem:s16+$0x40];
	v38 =	vadd.f32 v46, v19;
	[tilespmem:v47+s29+$0x0] =	vst.idx.msk $0xffff, v40  }
0x19c: {  	s5 =	sadd.s32 $0x1, s18  }
0x19d: {  	v39 =	vand.u32 $0x7F, v39;
	s6 =	sadd.s32 $0x2, s18;
	v41 =	vld [tilespmem:s16+$0xFFFFFFC0];
	v40 =	vmov s5  }
0x19e: {  	v44 =	vld [tilespmem:s16+$0x0];
	v42 =	vadd.s32 v11, v39;
	v43 =	vmov s6;
	v40 =	vand.u32 $0x7D, v40  }
0x19f: {  	v45 =	vld [tilespmem:s16+$0xFFFFFF80];
	v43 =	vand.u32 $0x7E, v43;
	v46 =	vadd.s32 v11, v40  }
0x1a0: {  	v47 =	vadd.s32 v11, v43  }
0x1a1: {  	[tilespmem:v35+s29+$0x0] =	vst.idx.msk $0xffff, v37;
	v58 =	vadd.s32 v11, v26;
	v36 =	vadd.f32 v36, v22  }
0x1a2: {  	[tilespmem:v34+s29+$0x0] =	vst.idx.msk $0xffff, v38;
	v59 =	vadd.f32 v41, v22  }
0x1a3: {  	v60 =	vadd.f32 v44, v22;
	[tilespmem:v42+s29+$0x0] =	vst.idx.msk $0xffff, v36  }
0x1a4: {  	v25 =	vadd.s32 v16, v25;
	v61 =	vadd.f32 v45, v22;
	v62 =	vld [tilespmem:s16+$0x50];
	[tilespmem:v46+s29+$0x0] =	vst.idx.msk $0xffff, v59  }
0x1a5: {  	v30 =	vadd.f32 v30, v19;
	[tilespmem:v47+s29+$0x0] =	vst.idx.msk $0xffff, v60;
	v34 =	vld [tilespmem:s16+$0xFFFFFFD0]  }
0x1a6: {  	v29 =	vadd.f32 v29, v17;
	v63 =	vadd.s32 v14, v39;
	[tilespmem:v58+s29+$0x0] =	vst.idx.msk $0xffff, v61;
	v41 =	vld [tilespmem:s16+$0x10]  }
0x1a7: {  	[tilespmem:v27+s29+$0x0] =	vst.idx.msk $0xffff, v30;
	v31 =	vadd.f32 v31, v17;
	v45 =	vadd.s32 v14, v40;
	v44 =	vld [tilespmem:s16+$0xFFFFFF90]  }
0x1a8: {  	v54 =	vld [tilespmem:s14+$0xFFFFFFA0];
	[tilespmem:v32+s29+$0x0] =	vst.idx.msk $0xffff, v29;
	v42 =	vadd.f32 v28, v17;
	v47 =	vadd.s32 v14, v43  }
0x1a9: {  	v49 =	vadd.s32 v14, v26;
	v48 =	vld [tilespmem:s14+$0xFFFFFFE0];
	[tilespmem:v25+s29+$0x0] =	vst.idx.msk $0xffff, v31;
	v50 =	vadd.f32 v62, v19  }
0x1aa: {  	v46 =	vld [tilespmem:s14+$0x60];
	[tilespmem:v33+s29+$0x0] =	vst.idx.msk $0xffff, v42;
	v60 =	vadd.s32 v15, v21;
	v53 =	vadd.f32 v34, v19  }
0x1ab: {  	v55 =	vadd.s32 v15, v23;
	v52 =	vld [tilespmem:s14+$0x20];
	[tilespmem:v63+s29+$0x0] =	vst.idx.msk $0xffff, v50;
	v56 =	vadd.f32 v41, v19  }
0x1ac: {  	v51 =	vadd.s32 v15, v20;
	v19 =	vadd.f32 v44, v19;
	v58 =	vld [tilespmem:s16+$0x60];
	[tilespmem:v45+s29+$0x0] =	vst.idx.msk $0xffff, v53  }
0x1ad: {  	v57 =	vadd.s32 v15, v24;
	v31 =	vadd.f32 v54, v18;
	[tilespmem:v47+s29+$0x0] =	vst.idx.msk $0xffff, v56;
	v61 =	vld [tilespmem:s16+$0xFFFFFFE0]  }
0x1ae: {  	v62 =	vadd.f32 v48, v18;
	[tilespmem:v49+s29+$0x0] =	vst.idx.msk $0xffff, v19;
	v19 =	vadd.s32 v15, v39;
	v63 =	vld [tilespmem:s16+$0x20]  }
0x1af: {  	v59 =	vadd.f32 v46, v18;
	[tilespmem:v60+s29+$0x0] =	vst.idx.msk $0xffff, v31;
	v44 =	vadd.s32 v15, v40;
	v42 =	vld [tilespmem:s16+$0xFFFFFFA0]  }
0x1b0: {  	v46 =	vadd.s32 v15, v43;
	v41 =	vadd.f32 v52, v18;
	[tilespmem:v55+s29+$0x0] =	vst.idx.msk $0xffff, v62;
	v31 =	vld [tilespmem:s14+$0xFFFFFFB0]  }
0x1b1: {  	v48 =	vadd.s32 v15, v26;
	[tilespmem:v51+s29+$0x0] =	vst.idx.msk $0xffff, v59;
	v34 =	vld [tilespmem:s14+$0xFFFFFFF0];
	v47 =	vadd.f32 v58, v18  }
0x1b2: {  	v54 =	vadd.s32 v16, v21;
	v45 =	vld [tilespmem:s14+$0x70];
	[tilespmem:v57+s29+$0x0] =	vst.idx.msk $0xffff, v41;
	v22 =	vadd.f32 v61, v18  }
0x1b3: {  	v51 =	vadd.s32 v16, v23;
	v50 =	vld [tilespmem:s14+$0x30];
	[tilespmem:v19+s29+$0x0] =	vst.idx.msk $0xffff, v47;
	v19 =	vadd.f32 v63, v18  }
0x1b4: {  	v49 =	vadd.s32 v16, v20;
	v18 =	vadd.f32 v42, v18;
	v25 =	vld [tilespmem:s16+$0x70];
	[tilespmem:v44+s29+$0x0] =	vst.idx.msk $0xffff, v22  }
0x1b5: {  	v52 =	vadd.s32 v16, v24;
	v60 =	vadd.f32 v31, v17;
	[tilespmem:v46+s29+$0x0] =	vst.idx.msk $0xffff, v19;
	v55 =	vld [tilespmem:s16+$0xFFFFFFF0]  }
0x1b6: {  	v56 =	vadd.s32 v16, v39;
	v19 =	vadd.f32 v34, v17;
	[tilespmem:v48+s29+$0x0] =	vst.idx.msk $0xffff, v18;
	v18 =	vld [tilespmem:s16+$0x30]  }
0x1b7: {  	v59 =	vadd.s32 v16, v40;
	v53 =	vadd.f32 v45, v17;
	[tilespmem:v54+s29+$0x0] =	vst.idx.msk $0xffff, v60;
	v58 =	vld [tilespmem:s16+$0xFFFFFFB0]  }
0x1b8: {  	v57 =	vadd.f32 v50, v17;
	[tilespmem:v51+s29+$0x0] =	vst.idx.msk $0xffff, v19;
	v19 =	vadd.s32 v16, v43  }
0x1b9: {  	v62 =	vadd.s32 v16, v26;
	[tilespmem:v49+s29+$0x0] =	vst.idx.msk $0xffff, v53;
	v61 =	vadd.f32 v25, v17  }
0x1ba: {  	[tilespmem:v52+s29+$0x0] =	vst.idx.msk $0xffff, v57;
	v63 =	vadd.f32 v55, v17  }
0x1bb: {  	s8 =	sshll.u32 s10, $0x12;
	[tilespmem:v56+s29+$0x0] =	vst.idx.msk $0xffff, v61;
	v18 =	vadd.f32 v18, v17  }
0x1bc: {  	s5 =	sor.u32 s7, s8;
	v17 =	vadd.f32 v58, v17;
	[tilespmem:v59+s29+$0x0] =	vst.idx.msk $0xffff, v63  }
0x1bd: {  	s5 =	sshrl.u32 s5, $0x3;
	[tilespmem:v19+s29+$0x0] =	vst.idx.msk $0xffff, v18  }
0x1be: {  	s10 =	simm.s32 $0x15C00;
	s8 =	sadd.s32 s2, s5;
	[tilespmem:v62+s29+$0x0] =	vst.idx.msk $0xffff, v17  }
0x1bf: {  	[hbm4b:s8+s3] =	stream.linear.scatter [tilespmem:s10], [sflag:$0x4], $0x80, $0x38;
	[tilespmem:$0x17E00] =	vst v63  }
0x1c0: {  	s6 =	sadd.s32 $0x10, s8;
	s14 =	simm.s32 $0x15C88  }
0x1c1: {  	[hbm4b:s6+s3] =	stream.linear.scatter [tilespmem:s14], [sflag:$0x4], $0x80, $0x38;
	[tilespmem:$0x17E00] =	vst v63  }
0x1c2: {  	s18 =	sadd.s32 $0x20, s8;
	s16 =	simm.s32 $0x15D10  }
0x1c3: {  	[hbm4b:s18+s3] =	stream.linear.scatter [tilespmem:s16], [sflag:$0x4], $0x80, $0x38;
	[tilespmem:$0x17E00] =	vst v63  }
0x1c4: {  	s10 =	simm.s32 $0x15D98;
	s14 =	sadd.s32 $0x30, s8  }
0x1c5: {  	[hbm4b:s14+s3] =	stream.linear.scatter [tilespmem:s10], [sflag:$0x4], $0x80, $0x38;
	[tilespmem:$0x17E00] =	vst v63  }
0x1c6: {  	s16 =	simm.s32 $0x15E20;
	s18 =	sadd.s32 $0x40, s8  }
0x1c7: {  	[hbm4b:s18+s3] =	stream.linear.scatter [tilespmem:s16], [sflag:$0x4], $0x80, $0x38;
	[tilespmem:$0x17E00] =	vst v63  }
0x1c8: {  	s5 =	simm.s32 $0x440;
	s10 =	simm.s32 $0x15EA8;
	s14 =	sadd.s32 $0x50, s8  }
0x1c9: {  	[hbm4b:s14+s3] =	stream.linear.scatter [tilespmem:s10], [sflag:$0x4], $0x80, $0x38;
	[tilespmem:$0x17E00] =	vst v63  }
0x1ca: {  	s6 =	sadd.s32 $0x70, s8;
	s16 =	simm.s32 $0x15F30;
	s18 =	sadd.s32 $0x60, s8  }
0x1cb: {  	[hbm4b:s18+s3] =	stream.linear.scatter [tilespmem:s16], [sflag:$0x4], $0x80, $0x38;
	[tilespmem:$0x17E00] =	vst v63  }
0x1cc: {  	s14 =	simm.s32 $0x2200;
	s10 =	sadd.s32 $0x1000, s8;
	s16 =	simm.s32 $0x15FB8  }
.LBB2_15:
0x1cd: {  	[hbm4b:s6+s3] =	stream.linear.scatter [tilespmem:s16], [sflag:$0x4], $0x80, $0x38;
	[tilespmem:$0x17E00] =	vst v63  }
0x1ce: {  	s6 =	smov.u32 s5;
	s5 =	smov.u32 s14  }
0x1cf: {  	s8 =	sadd.s32 $0x1100, s14;
	s5 =	sshra.s32 s5, $0x2;
	s16 =	sadd.s32 $0x15C00, s6  }
0x1d0: {  	[hbm4b:s10+s3] =	stream.linear.scatter [tilespmem:s16], [sflag:$0x4], $0x80, $0x38;
	[tilespmem:$0x17E00] =	vst v63  }
0x1d1: {  	p0 =	sne.s32 s14, $0x7700;
	s14 =	sadd.s32 $0x15C88, s6;
	s16 =	sadd.s32 $0x10, s10  }
0x1d2: {  	[hbm4b:s16+s3] =	stream.linear.scatter [tilespmem:s14], [sflag:$0x4], $0x80, $0x38;
	[tilespmem:$0x17E00] =	vst v63  }
0x1d3: {  	s14 =	sadd.s32 $0x15D10, s6;
	s16 =	sadd.s32 $0x20, s10  }
0x1d4: {  	[hbm4b:s16+s3] =	stream.linear.scatter [tilespmem:s14], [sflag:$0x4], $0x80, $0x38;
	[tilespmem:$0x17E00] =	vst v63  }
0x1d5: {  	s14 =	sadd.s32 $0x15D98, s6;
	s16 =	sadd.s32 $0x30, s10  }
0x1d6: {  	[hbm4b:s16+s3] =	stream.linear.scatter [tilespmem:s14], [sflag:$0x4], $0x80, $0x38;
	[tilespmem:$0x17E00] =	vst v63  }
0x1d7: {  	s14 =	sadd.s32 $0x15E20, s6;
	s16 =	sadd.s32 $0x40, s10  }
0x1d8: {  	[hbm4b:s16+s3] =	stream.linear.scatter [tilespmem:s14], [sflag:$0x4], $0x80, $0x38;
	[tilespmem:$0x17E00] =	vst v63  }
0x1d9: {  	s14 =	sadd.s32 $0x15EA8, s6;
	s16 =	sadd.s32 $0x50, s10  }
0x1da: {  	[hbm4b:s16+s3] =	stream.linear.scatter [tilespmem:s14], [sflag:$0x4], $0x80, $0x38;
	[tilespmem:$0x17E00] =	vst v63  }
.Ltmp7:
0x1db: {  	_ = 	snop;
	(pc) =	sbr.rel @p0 .LBB2_15-.Ltmp7, $4  }
0x1dc: {  	s14 =	sadd.s32 $0x15F30, s6;
	s16 =	sadd.s32 $0x60, s10  }
0x1dd: {  	[hbm4b:s16+s3] =	stream.linear.scatter [tilespmem:s14], [sflag:$0x4], $0x80, $0x38;
	[tilespmem:$0x17E00] =	vst v63  }
0x1de: {  	s16 =	sadd.s32 $0x15FB8, s6  }
0x1df: {  	s6 =	sadd.s32 $0x70, s10;
	s10 =	sadd.s32 $0x1000, s10;
	s14 =	smov.u32 s8  }
0x1e0: {  	[hbm4b:s6+s3] =	stream.linear.scatter [tilespmem:s16], [sflag:$0x4], $0x80, $0x38;
	[tilespmem:$0x17E00] =	vst v63  }
0x1e1: {  	s16 =	sadd.s32 $0x15C00, s5  }
0x1e2: {  	[hbm4b:s10+s3] =	stream.linear.scatter [tilespmem:s16], [sflag:$0x4], $0x80, $0x38;
	[tilespmem:$0x17E00] =	vst v63  }
0x1e3: {  	s18 =	sadd.s32 $0x15C88, s5;
	s8 =	sadd.s32 $0x10, s10  }
0x1e4: {  	[hbm4b:s8+s3] =	stream.linear.scatter [tilespmem:s18], [sflag:$0x4], $0x80, $0x38;
	[tilespmem:$0x17E00] =	vst v63  }
0x1e5: {  	s14 =	sadd.s32 $0x20, s10;
	s8 =	sadd.s32 $0x15D10, s5  }
0x1e6: {  	[hbm4b:s14+s3] =	stream.linear.scatter [tilespmem:s8], [sflag:$0x4], $0x80, $0x38;
	[tilespmem:$0x17E00] =	vst v63  }
0x1e7: {  	s16 =	sadd.s32 $0x15D98, s5;
	s18 =	sadd.s32 $0x30, s10  }
0x1e8: {  	[hbm4b:s18+s3] =	stream.linear.scatter [tilespmem:s16], [sflag:$0x4], $0x80, $0x38;
	[tilespmem:$0x17E00] =	vst v63  }
0x1e9: {  	s0 =	sadd.s32 $0x1, s0;
	s8 =	sadd.s32 $0x15E20, s5;
	s14 =	sadd.s32 $0x40, s10  }
0x1ea: {  	[hbm4b:s14+s3] =	stream.linear.scatter [tilespmem:s8], [sflag:$0x4], $0x80, $0x38;
	[tilespmem:$0x17E00] =	vst v63  }
0x1eb: {  	p0 =	sne.s32 s0, $0x64;
	s16 =	sadd.s32 $0x15EA8, s5;
	s18 =	sadd.s32 $0x50, s10  }
0x1ec: {  	[hbm4b:s18+s3] =	stream.linear.scatter [tilespmem:s16], [sflag:$0x4], $0x80, $0x38;
	[tilespmem:$0x17E00] =	vst v63  }
.Ltmp8:
0x1ed: {  	_ = 	snop;
	(pc) =	sbr.rel @p0 .LBB2_4-.Ltmp8, $4  }
0x1ee: {  	s8 =	sadd.s32 $0x15F30, s5;
	s14 =	sadd.s32 $0x60, s10  }
0x1ef: {  	[hbm4b:s14+s3] =	stream.linear.scatter [tilespmem:s8], [sflag:$0x4], $0x80, $0x38;
	[tilespmem:$0x17E00] =	vst v63  }
0x1f0: {  	s16 =	sadd.s32 $0x15FB8, s5;
	s18 =	sadd.s32 $0x70, s10  }
0x1f1: {  	[hbm4b:s18+s3] =	stream.linear.scatter [tilespmem:s16], [sflag:$0x4], $0x80, $0x38;
	[tilespmem:$0x17E00] =	vst v63  }
0x1f2: {  	_ =	swait.ge [sflag:s30], $0x2000  }
0x1f3: {  	[sflag:s30] =	ssyncset.done $0x0  }
0x1f4: {  	[sflag:s30] =	ssyncadd.s32 $0xFFFFE000  }
0x1f5: {  	_ =	swait.ge [sflag:s28], $0x2000  }
0x1f6: {  	s31 =	sadd.s32 $0x1, s31;
	s0 =	rddreg [dreg:$0x5]  }
0x1f7: {  	p0 =	sne.s32 s31, s0  }
.Ltmp9:
0x1f8: {  	_ = 	snop;
	(pc) =	sbr.rel @p0 .LBB2_1-.Ltmp9, $3  }
0x1f9: {  	_ =	sdelay $0x1  }
0x1fa: {  	[sflag:s28] =	ssyncset.done $0x0  }
0x1fb: {  	[sflag:s28] =	ssyncadd.s32 $0xFFFFE000  }
0x1fc: {  	_ =	sfence.sel $0x180000  }
0x1fd: {  	[bflag:$0x0] =	sbarrier.arrive $0xFFFF  }
0x1fe: {  	_ =	strace $0x90000047  }
0x1ff: {  	s0 =	stileid.u32;
	[bflag:$0x2] =	sbarrier.arrive $0xFFFF  }
0x200: {  	p0 =	sne.s32 s0, $0x0;
	s0 =	rddreg [dreg:$0x2]  }
0x201: {  	s0 =	sadd.s32 @!p0 $0x100000, s0  }
0x202: {  	[sflag:s0] =	ssyncadd.tile.s32 @!p0 $0x1;
	_ =	shalt  }
.Lfunc_end2:
_tile_overlayer_lowered:
.L_overlay_start_2:
0x203: {  	(tag) =	ssettag $0x2  }
0x204: {  	s0 =	rddreg [dreg:$0x0];
	s2 =	stileid.u32  }
0x205: {  	s1 =	rddreg [dreg:$0x1];
	p0 =	sne.s32 s2, $0x0  }
0x206: {  	s3 =	rddreg [dreg:$0x2];
	[bflag:$0x3] =	sbarrier.arrive $0xFFFF;
	s2 =	simm.s32 @!p0 $0x1C05  }
0x207: {  	[timem:s3], [sflag:s2] =	dma.local @!p0 [hbm:s0], s1  }
0x208: {  	s0 =	simm.s32 @!p0 $0x5  }
0x209: {  	_ =	swait.ge @!p0 [sflag:s0], s1  }
0x20a: {  	s1 =	ssub.s32 @!p0 $0x0, s1;
	[sflag:s0] =	ssyncset.done @!p0 $0x0  }
0x20b: {  	[sflag:s0] =	ssyncadd.s32 @!p0 s1  }
0x20c: {  	[bflag:$0x3] =	sbarrier.arrive $0xFFFF  }
0x20d: {  	_ =	shalt  }

</sc_bundles>
